<compile_context>
chip_gen: v7x
topology: tpu7x:2x2x1
jax: 0.10.2.dev20260603
libtpu: 0.0.44.dev20260713+nightly
codegen_flags: <defaults>
</compile_context>

<pallas_src>
import functools

import jax
import jax.numpy as jnp
from jax import lax
from jax.experimental import pallas as pl
from jax.experimental.pallas import tpu as pltpu
from jax.experimental.pallas import tpu_sc as plsc

_B, _S, _D, _E, _K = 4, 4096, 2048, 16, 2
_M = _B * _S
_BM = 1024

_NC, _NSUB, _L = 2, 16, 16
_NW = _NC * _NSUB
_TPW = _M // _NW
_CH = _TPW // _L


def _matmul_body(x_ref, wt_hbm, logits_ref, wt_vmem, sem):
    @pl.when(pl.program_id(0) == 0)
    def _load_wt():
        cp = pltpu.make_async_copy(wt_hbm, wt_vmem, sem)
        cp.start()
        cp.wait()

    logits_ref[...] = jnp.dot(
        x_ref[...], wt_vmem[...], preferred_element_type=jnp.float32
    )


def _tc_logits(xm, wt):
    return pl.pallas_call(
        _matmul_body,
        grid=(_M // _BM,),
        in_specs=[
            pl.BlockSpec((_BM, _D), lambda i: (i, 0)),
            pl.BlockSpec(memory_space=pl.ANY),
        ],
        out_specs=pl.BlockSpec((_BM, _E), lambda i: (i, 0)),
        out_shape=jax.ShapeDtypeStruct((_M, _E), jnp.float32),
        scratch_shapes=[
            pltpu.VMEM((_D, _E), jnp.float32),
            pltpu.SemaphoreType.DMA,
        ],
    )(xm, wt)


def _sc_route_body(l_hbm, w_hbm, i_hbm, l_v, w_v, i_v):
    wid = lax.axis_index("s") * _NC + lax.axis_index("c")
    pltpu.sync_copy(l_hbm.at[pl.ds(wid * (_TPW * _E), _TPW * _E)], l_v)

    lanes = lax.iota(jnp.int32, _L)

    def chunk_body(c, carry):
        loc = c * _L + lanes
        m1 = jnp.full((_L,), -jnp.inf, jnp.float32)
        m2 = jnp.full((_L,), -jnp.inf, jnp.float32)
        i1 = jnp.zeros((_L,), jnp.int32)
        i2 = jnp.zeros((_L,), jnp.int32)
        for e in range(_E):
            ev = jnp.full((_L,), e, jnp.int32)
            v = plsc.load_gather(l_v, [loc * _E + e])
            gt1 = v > m1
            gt2 = jnp.logical_and(jnp.logical_not(gt1), v > m2)
            m2 = jnp.where(gt1, m1, jnp.where(gt2, v, m2))
            i2 = jnp.where(gt1, i1, jnp.where(gt2, ev, i2))
            m1 = jnp.where(gt1, v, m1)
            i1 = jnp.where(gt1, ev, i1)
        e2 = jnp.exp(m2 - m1)
        denom = 1.0 + e2
        plsc.store_scatter(w_v, [loc * _K], 1.0 / denom)
        plsc.store_scatter(w_v, [loc * _K + 1], e2 / denom)
        plsc.store_scatter(i_v, [loc * _K], i1)
        plsc.store_scatter(i_v, [loc * _K + 1], i2)
        return carry

    lax.fori_loop(0, _CH, chunk_body, 0)
    pltpu.sync_copy(w_v, w_hbm.at[pl.ds(wid * (_TPW * _K), _TPW * _K)])
    pltpu.sync_copy(i_v, i_hbm.at[pl.ds(wid * (_TPW * _K), _TPW * _K)])


def _sc_route(logits_flat):
    mesh = plsc.VectorSubcoreMesh(core_axis_name="c", subcore_axis_name="s")
    fn = functools.partial(
        pl.kernel,
        mesh=mesh,
        out_type=[
            jax.ShapeDtypeStruct((_M * _K,), jnp.float32),
            jax.ShapeDtypeStruct((_M * _K,), jnp.int32),
        ],
        scratch_types=[
            pltpu.VMEM((_TPW * _E,), jnp.float32),
            pltpu.VMEM((_TPW * _K,), jnp.float32),
            pltpu.VMEM((_TPW * _K,), jnp.int32),
        ],
        compiler_params=pltpu.CompilerParams(needs_layout_passes=False),
    )(_sc_route_body)
    return fn(logits_flat)


@jax.jit
def kernel(x, W):
    xm = x.reshape(_M, _D)
    wt = W.T
    logits = _tc_logits(xm, wt)
    w_flat, i_flat = _sc_route(logits.reshape(_M * _E))
    return (
        w_flat.reshape(_B, _S, _K),
        i_flat.reshape(_B, _S, _K),
        logits.reshape(_B, _S, _E),
    )

# --- scband reference (transcript-rebuilt; emitter-appended) ---
"""Pipeline reference for scband-router-2645699854601 (READ-ONLY COPY).

The authoritative reference and input builder live on the scoring server;
editing this copy changes nothing except your own understanding.
"""

import jax, jax.numpy as jnp
import numpy as np

B, S, D, E, K = 4, 4096, 2048, 16, 2


def setup_inputs(seed: int = 0) -> dict:
    key = jax.random.key(seed)
    k1, k2 = jax.random.split(key)
    x = jax.random.normal(k1, (B, S, D), dtype=jnp.float32)
    # gate weight, matches nn.Linear(d_model, num_experts, bias=False): shape (E, D)
    W = jax.random.normal(k2, (E, D), dtype=jnp.float32) * 0.02
    return {"x": x, "W": W}


def reference(x, W):
    # router_logits = x @ W.T  -> (B, S, E)
    router_logits = jnp.einsum('bsd,ed->bse', x, W)
    router_probs = jax.nn.softmax(router_logits, axis=-1)
    top_k_weights, top_k_indices = jax.lax.top_k(router_probs, K)
    top_k_weights = top_k_weights / jnp.sum(top_k_weights, axis=-1, keepdims=True)
    return (top_k_weights, top_k_indices, router_logits)

if __name__ == "__main__":
    import jax
    _d = setup_inputs()
    print(jax.jit(kernel)(*tuple(_d.values())))

</pallas_src>

<mosaic_0001>
#map = affine_map<(d0, d1) -> (0)>
module attributes {stable_mosaic.version = 14 : i64} {
  func.func @_sc_route_body(%arg0: i32, %arg1: i32, %arg2: memref<262144xf32, #tpu.memory_space<hbm>>, %arg3: memref<32768xf32, #tpu.memory_space<hbm>>, %arg4: memref<32768xi32, #tpu.memory_space<hbm>>, %arg5: memref<8192xf32, #tpu.memory_space<vmem>>, %arg6: memref<1024xf32, #tpu.memory_space<vmem>>, %arg7: memref<1024xi32, #tpu.memory_space<vmem>>) attributes {dimension_semantics = [#tpu.dimension_semantics<core_parallel>, #tpu.dimension_semantics<subcore_parallel>], iteration_bounds = array<i64: 2, 16>, scalar_prefetch = 0 : i64, scratch_operands = 3 : i64, tpu.core_type = #tpu.core_type<sc_vector_subcore>, window_params = [{transform_indices = #map}, {transform_indices = #map}, {transform_indices = #map}]} {
    %mul3A = arith.constant 2 : i32
    %mul3A_0 = arith.muli %arg1, %mul3A : i32
    %add3A = arith.addi %mul3A_0, %arg0 : i32
    %mul3A_1 = arith.constant 8192 : i32
    %mul3A_2 = arith.muli %add3A, %mul3A_1 : i32
    "tpu.region"() ({
      %run_scoped3A = tpu.sem_alloc : memref<!tpu.dma_semaphore, #tpu.memory_space<semaphore_mem>>
      %dma_start3A = tpu.memref_slice %arg2[%mul3A_2] : memref<262144xf32, #tpu.memory_space<hbm>> -> memref<8192xf32, #tpu.memory_space<hbm>>
      %dma_start3A_12 = tpu.memref_slice %arg2[%mul3A_2] : memref<262144xf32, #tpu.memory_space<hbm>> -> memref<8192xf32, #tpu.memory_space<hbm>>
      tpu.enqueue_dma source(%dma_start3A_12 : memref<8192xf32, #tpu.memory_space<hbm>>) target(%arg5 : memref<8192xf32, #tpu.memory_space<vmem>>) target_semaphore(%run_scoped3A : memref<!tpu.dma_semaphore, #tpu.memory_space<semaphore_mem>>)
      %dma_wait3A = tpu.memref_slice %arg2[%mul3A_2] : memref<262144xf32, #tpu.memory_space<hbm>> -> memref<8192xf32, #tpu.memory_space<hbm>>
      %dma_wait3A_13 = tpu.memref_slice %arg2[%mul3A_2] : memref<262144xf32, #tpu.memory_space<hbm>> -> memref<8192xf32, #tpu.memory_space<hbm>>
      tpu.wait_dma2 semaphore(%run_scoped3A : memref<!tpu.dma_semaphore, #tpu.memory_space<semaphore_mem>>) src(%dma_wait3A_13 : memref<8192xf32, #tpu.memory_space<hbm>>) dst(%arg5 : memref<8192xf32, #tpu.memory_space<vmem>>)
      tpu.yield
    }) : () -> ()
    %iota3A = tpu.iota {dimensions = array<i32: 0>} : vector<16xi32>
    %scan3A = arith.constant 0 : i32
    %scan3A_3 = arith.constant 0 : i32
    %scan3A_4 = arith.constant 32 : i32
    %scan3A_5 = arith.addi %scan3A_3, %scan3A_4 : i32
    %scan3A_6 = arith.constant 1 : i32
    scf.for %scan3A_12 = %scan3A_3 to %scan3A_5 step %scan3A_6  : i32 {
      %mul3A_13 = arith.constant 16 : i32
      %mul3A_14 = arith.muli %scan3A_12, %mul3A_13 : i32
      %add3A_15 = vector.broadcast %mul3A_14 : i32 to vector<16xi32>
      %add3A_16 = arith.addi %add3A_15, %iota3A : vector<16xi32>
      %broadcast_in_dim3A = arith.constant 0xFF800000 : f32
      %broadcast_in_dim3A_17 = vector.broadcast %broadcast_in_dim3A : f32 to vector<16xf32>
      %broadcast_in_dim3A_18 = arith.constant 0xFF800000 : f32
      %broadcast_in_dim3A_19 = vector.broadcast %broadcast_in_dim3A_18 : f32 to vector<16xf32>
      %broadcast_in_dim3A_20 = arith.constant 0 : i32
      %broadcast_in_dim3A_21 = vector.broadcast %broadcast_in_dim3A_20 : i32 to vector<16xi32>
      %broadcast_in_dim3A_22 = arith.constant 0 : i32
      %broadcast_in_dim3A_23 = vector.broadcast %broadcast_in_dim3A_22 : i32 to vector<16xi32>
      %broadcast_in_dim3A_24 = arith.constant 0 : i32
      %broadcast_in_dim3A_25 = vector.broadcast %broadcast_in_dim3A_24 : i32 to vector<16xi32>
      %mul3A_26 = arith.constant 16 : i32
      %mul3A_27 = vector.broadcast %mul3A_26 : i32 to vector<16xi32>
      %mul3A_28 = arith.muli %add3A_16, %mul3A_27 : vector<16xi32>
      %add3A_29 = arith.constant 0 : i32
      %add3A_30 = vector.broadcast %add3A_29 : i32 to vector<16xi32>
      %add3A_31 = arith.addi %mul3A_28, %add3A_30 : vector<16xi32>
      %gather3A = tpu.vector_load_idx %arg5[%add3A_31] : memref<8192xf32, #tpu.memory_space<vmem>>[vector<16xi32>], vector<16xf32>,
      %gt3A = arith.cmpf ogt, %gather3A, %broadcast_in_dim3A_17 : vector<16xf32>
      %not3A = arith.constant dense<true> : vector<16xi1>
      %not3A_32 = arith.xori %gt3A, %not3A : vector<16xi1>
      %gt3A_33 = arith.cmpf ogt, %gather3A, %broadcast_in_dim3A_19 : vector<16xf32>
      %and3A = arith.andi %not3A_32, %gt3A_33 : vector<16xi1>
      %select_n3A = arith.select %and3A, %gather3A, %broadcast_in_dim3A_19 : vector<16xi1>, vector<16xf32>
      %select_n3A_34 = arith.select %gt3A, %broadcast_in_dim3A_17, %select_n3A : vector<16xi1>, vector<16xf32>
      %select_n3A_35 = arith.select %and3A, %broadcast_in_dim3A_25, %broadcast_in_dim3A_23 : vector<16xi1>, vector<16xi32>
      %select_n3A_36 = arith.select %gt3A, %broadcast_in_dim3A_21, %select_n3A_35 : vector<16xi1>, vector<16xi32>
      %select_n3A_37 = arith.select %gt3A, %gather3A, %broadcast_in_dim3A_17 : vector<16xi1>, vector<16xf32>
      %select_n3A_38 = arith.select %gt3A, %broadcast_in_dim3A_25, %broadcast_in_dim3A_21 : vector<16xi1>, vector<16xi32>
      %broadcast_in_dim3A_39 = arith.constant 1 : i32
      %broadcast_in_dim3A_40 = vector.broadcast %broadcast_in_dim3A_39 : i32 to vector<16xi32>
      %mul3A_41 = arith.constant 16 : i32
      %mul3A_42 = vector.broadcast %mul3A_41 : i32 to vector<16xi32>
      %mul3A_43 = arith.muli %add3A_16, %mul3A_42 : vector<16xi32>
      %add3A_44 = arith.constant 1 : i32
      %add3A_45 = vector.broadcast %add3A_44 : i32 to vector<16xi32>
      %add3A_46 = arith.addi %mul3A_43, %add3A_45 : vector<16xi32>
      %gather3A_47 = tpu.vector_load_idx %arg5[%add3A_46] : memref<8192xf32, #tpu.memory_space<vmem>>[vector<16xi32>], vector<16xf32>,
      %gt3A_48 = arith.cmpf ogt, %gather3A_47, %select_n3A_37 : vector<16xf32>
      %not3A_49 = arith.constant dense<true> : vector<16xi1>
      %not3A_50 = arith.xori %gt3A_48, %not3A_49 : vector<16xi1>
      %gt3A_51 = arith.cmpf ogt, %gather3A_47, %select_n3A_34 : vector<16xf32>
      %and3A_52 = arith.andi %not3A_50, %gt3A_51 : vector<16xi1>
      %select_n3A_53 = arith.select %and3A_52, %gather3A_47, %select_n3A_34 : vector<16xi1>, vector<16xf32>
      %select_n3A_54 = arith.select %gt3A_48, %select_n3A_37, %select_n3A_53 : vector<16xi1>, vector<16xf32>
      %select_n3A_55 = arith.select %and3A_52, %broadcast_in_dim3A_40, %select_n3A_36 : vector<16xi1>, vector<16xi32>
      %select_n3A_56 = arith.select %gt3A_48, %select_n3A_38, %select_n3A_55 : vector<16xi1>, vector<16xi32>
      %select_n3A_57 = arith.select %gt3A_48, %gather3A_47, %select_n3A_37 : vector<16xi1>, vector<16xf32>
      %select_n3A_58 = arith.select %gt3A_48, %broadcast_in_dim3A_40, %select_n3A_38 : vector<16xi1>, vector<16xi32>
      %broadcast_in_dim3A_59 = arith.constant 2 : i32
      %broadcast_in_dim3A_60 = vector.broadcast %broadcast_in_dim3A_59 : i32 to vector<16xi32>
      %mul3A_61 = arith.constant 16 : i32
      %mul3A_62 = vector.broadcast %mul3A_61 : i32 to vector<16xi32>
      %mul3A_63 = arith.muli %add3A_16, %mul3A_62 : vector<16xi32>
      %add3A_64 = arith.constant 2 : i32
      %add3A_65 = vector.broadcast %add3A_64 : i32 to vector<16xi32>
      %add3A_66 = arith.addi %mul3A_63, %add3A_65 : vector<16xi32>
      %gather3A_67 = tpu.vector_load_idx %arg5[%add3A_66] : memref<8192xf32, #tpu.memory_space<vmem>>[vector<16xi32>], vector<16xf32>,
      %gt3A_68 = arith.cmpf ogt, %gather3A_67, %select_n3A_57 : vector<16xf32>
      %not3A_69 = arith.constant dense<true> : vector<16xi1>
      %not3A_70 = arith.xori %gt3A_68, %not3A_69 : vector<16xi1>
      %gt3A_71 = arith.cmpf ogt, %gather3A_67, %select_n3A_54 : vector<16xf32>
      %and3A_72 = arith.andi %not3A_70, %gt3A_71 : vector<16xi1>
      %select_n3A_73 = arith.select %and3A_72, %gather3A_67, %select_n3A_54 : vector<16xi1>, vector<16xf32>
      %select_n3A_74 = arith.select %gt3A_68, %select_n3A_57, %select_n3A_73 : vector<16xi1>, vector<16xf32>
      %select_n3A_75 = arith.select %and3A_72, %broadcast_in_dim3A_60, %select_n3A_56 : vector<16xi1>, vector<16xi32>
      %select_n3A_76 = arith.select %gt3A_68, %select_n3A_58, %select_n3A_75 : vector<16xi1>, vector<16xi32>
      %select_n3A_77 = arith.select %gt3A_68, %gather3A_67, %select_n3A_57 : vector<16xi1>, vector<16xf32>
      %select_n3A_78 = arith.select %gt3A_68, %broadcast_in_dim3A_60, %select_n3A_58 : vector<16xi1>, vector<16xi32>
      %broadcast_in_dim3A_79 = arith.constant 3 : i32
      %broadcast_in_dim3A_80 = vector.broadcast %broadcast_in_dim3A_79 : i32 to vector<16xi32>
      %mul3A_81 = arith.constant 16 : i32
      %mul3A_82 = vector.broadcast %mul3A_81 : i32 to vector<16xi32>
      %mul3A_83 = arith.muli %add3A_16, %mul3A_82 : vector<16xi32>
      %add3A_84 = arith.constant 3 : i32
      %add3A_85 = vector.broadcast %add3A_84 : i32 to vector<16xi32>
      %add3A_86 = arith.addi %mul3A_83, %add3A_85 : vector<16xi32>
      %gather3A_87 = tpu.vector_load_idx %arg5[%add3A_86] : memref<8192xf32, #tpu.memory_space<vmem>>[vector<16xi32>], vector<16xf32>,
      %gt3A_88 = arith.cmpf ogt, %gather3A_87, %select_n3A_77 : vector<16xf32>
      %not3A_89 = arith.constant dense<true> : vector<16xi1>
      %not3A_90 = arith.xori %gt3A_88, %not3A_89 : vector<16xi1>
      %gt3A_91 = arith.cmpf ogt, %gather3A_87, %select_n3A_74 : vector<16xf32>
      %and3A_92 = arith.andi %not3A_90, %gt3A_91 : vector<16xi1>
      %select_n3A_93 = arith.select %and3A_92, %gather3A_87, %select_n3A_74 : vector<16xi1>, vector<16xf32>
      %select_n3A_94 = arith.select %gt3A_88, %select_n3A_77, %select_n3A_93 : vector<16xi1>, vector<16xf32>
      %select_n3A_95 = arith.select %and3A_92, %broadcast_in_dim3A_80, %select_n3A_76 : vector<16xi1>, vector<16xi32>
      %select_n3A_96 = arith.select %gt3A_88, %select_n3A_78, %select_n3A_95 : vector<16xi1>, vector<16xi32>
      %select_n3A_97 = arith.select %gt3A_88, %gather3A_87, %select_n3A_77 : vector<16xi1>, vector<16xf32>
      %select_n3A_98 = arith.select %gt3A_88, %broadcast_in_dim3A_80, %select_n3A_78 : vector<16xi1>, vector<16xi32>
      %broadcast_in_dim3A_99 = arith.constant 4 : i32
      %broadcast_in_dim3A_100 = vector.broadcast %broadcast_in_dim3A_99 : i32 to vector<16xi32>
      %mul3A_101 = arith.constant 16 : i32
      %mul3A_102 = vector.broadcast %mul3A_101 : i32 to vector<16xi32>
      %mul3A_103 = arith.muli %add3A_16, %mul3A_102 : vector<16xi32>
      %add3A_104 = arith.constant 4 : i32
      %add3A_105 = vector.broadcast %add3A_104 : i32 to vector<16xi32>
      %add3A_106 = arith.addi %mul3A_103, %add3A_105 : vector<16xi32>
      %gather3A_107 = tpu.vector_load_idx %arg5[%add3A_106] : memref<8192xf32, #tpu.memory_space<vmem>>[vector<16xi32>], vector<16xf32>,
      %gt3A_108 = arith.cmpf ogt, %gather3A_107, %select_n3A_97 : vector<16xf32>
      %not3A_109 = arith.constant dense<true> : vector<16xi1>
      %not3A_110 = arith.xori %gt3A_108, %not3A_109 : vector<16xi1>
      %gt3A_111 = arith.cmpf ogt, %gather3A_107, %select_n3A_94 : vector<16xf32>
      %and3A_112 = arith.andi %not3A_110, %gt3A_111 : vector<16xi1>
      %select_n3A_113 = arith.select %and3A_112, %gather3A_107, %select_n3A_94 : vector<16xi1>, vector<16xf32>
      %select_n3A_114 = arith.select %gt3A_108, %select_n3A_97, %select_n3A_113 : vector<16xi1>, vector<16xf32>
      %select_n3A_115 = arith.select %and3A_112, %broadcast_in_dim3A_100, %select_n3A_96 : vector<16xi1>, vector<16xi32>
      %select_n3A_116 = arith.select %gt3A_108, %select_n3A_98, %select_n3A_115 : vector<16xi1>, vector<16xi32>
      %select_n3A_117 = arith.select %gt3A_108, %gather3A_107, %select_n3A_97 : vector<16xi1>, vector<16xf32>
      %select_n3A_118 = arith.select %gt3A_108, %broadcast_in_dim3A_100, %select_n3A_98 : vector<16xi1>, vector<16xi32>
      %broadcast_in_dim3A_119 = arith.constant 5 : i32
      %broadcast_in_dim3A_120 = vector.broadcast %broadcast_in_dim3A_119 : i32 to vector<16xi32>
      %mul3A_121 = arith.constant 16 : i32
      %mul3A_122 = vector.broadcast %mul3A_121 : i32 to vector<16xi32>
      %mul3A_123 = arith.muli %add3A_16, %mul3A_122 : vector<16xi32>
      %add3A_124 = arith.constant 5 : i32
      %add3A_125 = vector.broadcast %add3A_124 : i32 to vector<16xi32>
      %add3A_126 = arith.addi %mul3A_123, %add3A_125 : vector<16xi32>
      %gather3A_127 = tpu.vector_load_idx %arg5[%add3A_126] : memref<8192xf32, #tpu.memory_space<vmem>>[vector<16xi32>], vector<16xf32>,
      %gt3A_128 = arith.cmpf ogt, %gather3A_127, %select_n3A_117 : vector<16xf32>
      %not3A_129 = arith.constant dense<true> : vector<16xi1>
      %not3A_130 = arith.xori %gt3A_128, %not3A_129 : vector<16xi1>
      %gt3A_131 = arith.cmpf ogt, %gather3A_127, %select_n3A_114 : vector<16xf32>
      %and3A_132 = arith.andi %not3A_130, %gt3A_131 : vector<16xi1>
      %select_n3A_133 = arith.select %and3A_132, %gather3A_127, %select_n3A_114 : vector<16xi1>, vector<16xf32>
      %select_n3A_134 = arith.select %gt3A_128, %select_n3A_117, %select_n3A_133 : vector<16xi1>, vector<16xf32>
      %select_n3A_135 = arith.select %and3A_132, %broadcast_in_dim3A_120, %select_n3A_116 : vector<16xi1>, vector<16xi32>
      %select_n3A_136 = arith.select %gt3A_128, %select_n3A_118, %select_n3A_135 : vector<16xi1>, vector<16xi32>
      %select_n3A_137 = arith.select %gt3A_128, %gather3A_127, %select_n3A_117 : vector<16xi1>, vector<16xf32>
      %select_n3A_138 = arith.select %gt3A_128, %broadcast_in_dim3A_120, %select_n3A_118 : vector<16xi1>, vector<16xi32>
      %broadcast_in_dim3A_139 = arith.constant 6 : i32
      %broadcast_in_dim3A_140 = vector.broadcast %broadcast_in_dim3A_139 : i32 to vector<16xi32>
      %mul3A_141 = arith.constant 16 : i32
      %mul3A_142 = vector.broadcast %mul3A_141 : i32 to vector<16xi32>
      %mul3A_143 = arith.muli %add3A_16, %mul3A_142 : vector<16xi32>
      %add3A_144 = arith.constant 6 : i32
      %add3A_145 = vector.broadcast %add3A_144 : i32 to vector<16xi32>
      %add3A_146 = arith.addi %mul3A_143, %add3A_145 : vector<16xi32>
      %gather3A_147 = tpu.vector_load_idx %arg5[%add3A_146] : memref<8192xf32, #tpu.memory_space<vmem>>[vector<16xi32>], vector<16xf32>,
      %gt3A_148 = arith.cmpf ogt, %gather3A_147, %select_n3A_137 : vector<16xf32>
      %not3A_149 = arith.constant dense<true> : vector<16xi1>
      %not3A_150 = arith.xori %gt3A_148, %not3A_149 : vector<16xi1>
      %gt3A_151 = arith.cmpf ogt, %gather3A_147, %select_n3A_134 : vector<16xf32>
      %and3A_152 = arith.andi %not3A_150, %gt3A_151 : vector<16xi1>
      %select_n3A_153 = arith.select %and3A_152, %gather3A_147, %select_n3A_134 : vector<16xi1>, vector<16xf32>
      %select_n3A_154 = arith.select %gt3A_148, %select_n3A_137, %select_n3A_153 : vector<16xi1>, vector<16xf32>
      %select_n3A_155 = arith.select %and3A_152, %broadcast_in_dim3A_140, %select_n3A_136 : vector<16xi1>, vector<16xi32>
      %select_n3A_156 = arith.select %gt3A_148, %select_n3A_138, %select_n3A_155 : vector<16xi1>, vector<16xi32>
      %select_n3A_157 = arith.select %gt3A_148, %gather3A_147, %select_n3A_137 : vector<16xi1>, vector<16xf32>
      %select_n3A_158 = arith.select %gt3A_148, %broadcast_in_dim3A_140, %select_n3A_138 : vector<16xi1>, vector<16xi32>
      %broadcast_in_dim3A_159 = arith.constant 7 : i32
      %broadcast_in_dim3A_160 = vector.broadcast %broadcast_in_dim3A_159 : i32 to vector<16xi32>
      %mul3A_161 = arith.constant 16 : i32
      %mul3A_162 = vector.broadcast %mul3A_161 : i32 to vector<16xi32>
      %mul3A_163 = arith.muli %add3A_16, %mul3A_162 : vector<16xi32>
      %add3A_164 = arith.constant 7 : i32
      %add3A_165 = vector.broadcast %add3A_164 : i32 to vector<16xi32>
      %add3A_166 = arith.addi %mul3A_163, %add3A_165 : vector<16xi32>
      %gather3A_167 = tpu.vector_load_idx %arg5[%add3A_166] : memref<8192xf32, #tpu.memory_space<vmem>>[vector<16xi32>], vector<16xf32>,
      %gt3A_168 = arith.cmpf ogt, %gather3A_167, %select_n3A_157 : vector<16xf32>
      %not3A_169 = arith.constant dense<true> : vector<16xi1>
      %not3A_170 = arith.xori %gt3A_168, %not3A_169 : vector<16xi1>
      %gt3A_171 = arith.cmpf ogt, %gather3A_167, %select_n3A_154 : vector<16xf32>
      %and3A_172 = arith.andi %not3A_170, %gt3A_171 : vector<16xi1>
      %select_n3A_173 = arith.select %and3A_172, %gather3A_167, %select_n3A_154 : vector<16xi1>, vector<16xf32>
      %select_n3A_174 = arith.select %gt3A_168, %select_n3A_157, %select_n3A_173 : vector<16xi1>, vector<16xf32>
      %select_n3A_175 = arith.select %and3A_172, %broadcast_in_dim3A_160, %select_n3A_156 : vector<16xi1>, vector<16xi32>
      %select_n3A_176 = arith.select %gt3A_168, %select_n3A_158, %select_n3A_175 : vector<16xi1>, vector<16xi32>
      %select_n3A_177 = arith.select %gt3A_168, %gather3A_167, %select_n3A_157 : vector<16xi1>, vector<16xf32>
      %select_n3A_178 = arith.select %gt3A_168, %broadcast_in_dim3A_160, %select_n3A_158 : vector<16xi1>, vector<16xi32>
      %broadcast_in_dim3A_179 = arith.constant 8 : i32
      %broadcast_in_dim3A_180 = vector.broadcast %broadcast_in_dim3A_179 : i32 to vector<16xi32>
      %mul3A_181 = arith.constant 16 : i32
      %mul3A_182 = vector.broadcast %mul3A_181 : i32 to vector<16xi32>
      %mul3A_183 = arith.muli %add3A_16, %mul3A_182 : vector<16xi32>
      %add3A_184 = arith.constant 8 : i32
      %add3A_185 = vector.broadcast %add3A_184 : i32 to vector<16xi32>
      %add3A_186 = arith.addi %mul3A_183, %add3A_185 : vector<16xi32>
      %gather3A_187 = tpu.vector_load_idx %arg5[%add3A_186] : memref<8192xf32, #tpu.memory_space<vmem>>[vector<16xi32>], vector<16xf32>,
      %gt3A_188 = arith.cmpf ogt, %gather3A_187, %select_n3A_177 : vector<16xf32>
      %not3A_189 = arith.constant dense<true> : vector<16xi1>
      %not3A_190 = arith.xori %gt3A_188, %not3A_189 : vector<16xi1>
      %gt3A_191 = arith.cmpf ogt, %gather3A_187, %select_n3A_174 : vector<16xf32>
      %and3A_192 = arith.andi %not3A_190, %gt3A_191 : vector<16xi1>
      %select_n3A_193 = arith.select %and3A_192, %gather3A_187, %select_n3A_174 : vector<16xi1>, vector<16xf32>
      %select_n3A_194 = arith.select %gt3A_188, %select_n3A_177, %select_n3A_193 : vector<16xi1>, vector<16xf32>
      %select_n3A_195 = arith.select %and3A_192, %broadcast_in_dim3A_180, %select_n3A_176 : vector<16xi1>, vector<16xi32>
      %select_n3A_196 = arith.select %gt3A_188, %select_n3A_178, %select_n3A_195 : vector<16xi1>, vector<16xi32>
      %select_n3A_197 = arith.select %gt3A_188, %gather3A_187, %select_n3A_177 : vector<16xi1>, vector<16xf32>
      %select_n3A_198 = arith.select %gt3A_188, %broadcast_in_dim3A_180, %select_n3A_178 : vector<16xi1>, vector<16xi32>
      %broadcast_in_dim3A_199 = arith.constant 9 : i32
      %broadcast_in_dim3A_200 = vector.broadcast %broadcast_in_dim3A_199 : i32 to vector<16xi32>
      %mul3A_201 = arith.constant 16 : i32
      %mul3A_202 = vector.broadcast %mul3A_201 : i32 to vector<16xi32>
      %mul3A_203 = arith.muli %add3A_16, %mul3A_202 : vector<16xi32>
      %add3A_204 = arith.constant 9 : i32
      %add3A_205 = vector.broadcast %add3A_204 : i32 to vector<16xi32>
      %add3A_206 = arith.addi %mul3A_203, %add3A_205 : vector<16xi32>
      %gather3A_207 = tpu.vector_load_idx %arg5[%add3A_206] : memref<8192xf32, #tpu.memory_space<vmem>>[vector<16xi32>], vector<16xf32>,
      %gt3A_208 = arith.cmpf ogt, %gather3A_207, %select_n3A_197 : vector<16xf32>
      %not3A_209 = arith.constant dense<true> : vector<16xi1>
      %not3A_210 = arith.xori %gt3A_208, %not3A_209 : vector<16xi1>
      %gt3A_211 = arith.cmpf ogt, %gather3A_207, %select_n3A_194 : vector<16xf32>
      %and3A_212 = arith.andi %not3A_210, %gt3A_211 : vector<16xi1>
      %select_n3A_213 = arith.select %and3A_212, %gather3A_207, %select_n3A_194 : vector<16xi1>, vector<16xf32>
      %select_n3A_214 = arith.select %gt3A_208, %select_n3A_197, %select_n3A_213 : vector<16xi1>, vector<16xf32>
      %select_n3A_215 = arith.select %and3A_212, %broadcast_in_dim3A_200, %select_n3A_196 : vector<16xi1>, vector<16xi32>
      %select_n3A_216 = arith.select %gt3A_208, %select_n3A_198, %select_n3A_215 : vector<16xi1>, vector<16xi32>
      %select_n3A_217 = arith.select %gt3A_208, %gather3A_207, %select_n3A_197 : vector<16xi1>, vector<16xf32>
      %select_n3A_218 = arith.select %gt3A_208, %broadcast_in_dim3A_200, %select_n3A_198 : vector<16xi1>, vector<16xi32>
      %broadcast_in_dim3A_219 = arith.constant 10 : i32
      %broadcast_in_dim3A_220 = vector.broadcast %broadcast_in_dim3A_219 : i32 to vector<16xi32>
      %mul3A_221 = arith.constant 16 : i32
      %mul3A_222 = vector.broadcast %mul3A_221 : i32 to vector<16xi32>
      %mul3A_223 = arith.muli %add3A_16, %mul3A_222 : vector<16xi32>
      %add3A_224 = arith.constant 10 : i32
      %add3A_225 = vector.broadcast %add3A_224 : i32 to vector<16xi32>
      %add3A_226 = arith.addi %mul3A_223, %add3A_225 : vector<16xi32>
      %gather3A_227 = tpu.vector_load_idx %arg5[%add3A_226] : memref<8192xf32, #tpu.memory_space<vmem>>[vector<16xi32>], vector<16xf32>,
      %gt3A_228 = arith.cmpf ogt, %gather3A_227, %select_n3A_217 : vector<16xf32>
      %not3A_229 = arith.constant dense<true> : vector<16xi1>
      %not3A_230 = arith.xori %gt3A_228, %not3A_229 : vector<16xi1>
      %gt3A_231 = arith.cmpf ogt, %gather3A_227, %select_n3A_214 : vector<16xf32>
      %and3A_232 = arith.andi %not3A_230, %gt3A_231 : vector<16xi1>
      %select_n3A_233 = arith.select %and3A_232, %gather3A_227, %select_n3A_214 : vector<16xi1>, vector<16xf32>
      %select_n3A_234 = arith.select %gt3A_228, %select_n3A_217, %select_n3A_233 : vector<16xi1>, vector<16xf32>
      %select_n3A_235 = arith.select %and3A_232, %broadcast_in_dim3A_220, %select_n3A_216 : vector<16xi1>, vector<16xi32>
      %select_n3A_236 = arith.select %gt3A_228, %select_n3A_218, %select_n3A_235 : vector<16xi1>, vector<16xi32>
      %select_n3A_237 = arith.select %gt3A_228, %gather3A_227, %select_n3A_217 : vector<16xi1>, vector<16xf32>
      %select_n3A_238 = arith.select %gt3A_228, %broadcast_in_dim3A_220, %select_n3A_218 : vector<16xi1>, vector<16xi32>
      %broadcast_in_dim3A_239 = arith.constant 11 : i32
      %broadcast_in_dim3A_240 = vector.broadcast %broadcast_in_dim3A_239 : i32 to vector<16xi32>
      %mul3A_241 = arith.constant 16 : i32
      %mul3A_242 = vector.broadcast %mul3A_241 : i32 to vector<16xi32>
      %mul3A_243 = arith.muli %add3A_16, %mul3A_242 : vector<16xi32>
      %add3A_244 = arith.constant 11 : i32
      %add3A_245 = vector.broadcast %add3A_244 : i32 to vector<16xi32>
      %add3A_246 = arith.addi %mul3A_243, %add3A_245 : vector<16xi32>
      %gather3A_247 = tpu.vector_load_idx %arg5[%add3A_246] : memref<8192xf32, #tpu.memory_space<vmem>>[vector<16xi32>], vector<16xf32>,
      %gt3A_248 = arith.cmpf ogt, %gather3A_247, %select_n3A_237 : vector<16xf32>
      %not3A_249 = arith.constant dense<true> : vector<16xi1>
      %not3A_250 = arith.xori %gt3A_248, %not3A_249 : vector<16xi1>
      %gt3A_251 = arith.cmpf ogt, %gather3A_247, %select_n3A_234 : vector<16xf32>
      %and3A_252 = arith.andi %not3A_250, %gt3A_251 : vector<16xi1>
      %select_n3A_253 = arith.select %and3A_252, %gather3A_247, %select_n3A_234 : vector<16xi1>, vector<16xf32>
      %select_n3A_254 = arith.select %gt3A_248, %select_n3A_237, %select_n3A_253 : vector<16xi1>, vector<16xf32>
      %select_n3A_255 = arith.select %and3A_252, %broadcast_in_dim3A_240, %select_n3A_236 : vector<16xi1>, vector<16xi32>
      %select_n3A_256 = arith.select %gt3A_248, %select_n3A_238, %select_n3A_255 : vector<16xi1>, vector<16xi32>
      %select_n3A_257 = arith.select %gt3A_248, %gather3A_247, %select_n3A_237 : vector<16xi1>, vector<16xf32>
      %select_n3A_258 = arith.select %gt3A_248, %broadcast_in_dim3A_240, %select_n3A_238 : vector<16xi1>, vector<16xi32>
      %broadcast_in_dim3A_259 = arith.constant 12 : i32
      %broadcast_in_dim3A_260 = vector.broadcast %broadcast_in_dim3A_259 : i32 to vector<16xi32>
      %mul3A_261 = arith.constant 16 : i32
      %mul3A_262 = vector.broadcast %mul3A_261 : i32 to vector<16xi32>
      %mul3A_263 = arith.muli %add3A_16, %mul3A_262 : vector<16xi32>
      %add3A_264 = arith.constant 12 : i32
      %add3A_265 = vector.broadcast %add3A_264 : i32 to vector<16xi32>
      %add3A_266 = arith.addi %mul3A_263, %add3A_265 : vector<16xi32>
      %gather3A_267 = tpu.vector_load_idx %arg5[%add3A_266] : memref<8192xf32, #tpu.memory_space<vmem>>[vector<16xi32>], vector<16xf32>,
      %gt3A_268 = arith.cmpf ogt, %gather3A_267, %select_n3A_257 : vector<16xf32>
      %not3A_269 = arith.constant dense<true> : vector<16xi1>
      %not3A_270 = arith.xori %gt3A_268, %not3A_269 : vector<16xi1>
      %gt3A_271 = arith.cmpf ogt, %gather3A_267, %select_n3A_254 : vector<16xf32>
      %and3A_272 = arith.andi %not3A_270, %gt3A_271 : vector<16xi1>
      %select_n3A_273 = arith.select %and3A_272, %gather3A_267, %select_n3A_254 : vector<16xi1>, vector<16xf32>
      %select_n3A_274 = arith.select %gt3A_268, %select_n3A_257, %select_n3A_273 : vector<16xi1>, vector<16xf32>
      %select_n3A_275 = arith.select %and3A_272, %broadcast_in_dim3A_260, %select_n3A_256 : vector<16xi1>, vector<16xi32>
      %select_n3A_276 = arith.select %gt3A_268, %select_n3A_258, %select_n3A_275 : vector<16xi1>, vector<16xi32>
      %select_n3A_277 = arith.select %gt3A_268, %gather3A_267, %select_n3A_257 : vector<16xi1>, vector<16xf32>
      %select_n3A_278 = arith.select %gt3A_268, %broadcast_in_dim3A_260, %select_n3A_258 : vector<16xi1>, vector<16xi32>
      %broadcast_in_dim3A_279 = arith.constant 13 : i32
      %broadcast_in_dim3A_280 = vector.broadcast %broadcast_in_dim3A_279 : i32 to vector<16xi32>
      %mul3A_281 = arith.constant 16 : i32
      %mul3A_282 = vector.broadcast %mul3A_281 : i32 to vector<16xi32>
      %mul3A_283 = arith.muli %add3A_16, %mul3A_282 : vector<16xi32>
      %add3A_284 = arith.constant 13 : i32
      %add3A_285 = vector.broadcast %add3A_284 : i32 to vector<16xi32>
      %add3A_286 = arith.addi %mul3A_283, %add3A_285 : vector<16xi32>
      %gather3A_287 = tpu.vector_load_idx %arg5[%add3A_286] : memref<8192xf32, #tpu.memory_space<vmem>>[vector<16xi32>], vector<16xf32>,
      %gt3A_288 = arith.cmpf ogt, %gather3A_287, %select_n3A_277 : vector<16xf32>
      %not3A_289 = arith.constant dense<true> : vector<16xi1>
      %not3A_290 = arith.xori %gt3A_288, %not3A_289 : vector<16xi1>
      %gt3A_291 = arith.cmpf ogt, %gather3A_287, %select_n3A_274 : vector<16xf32>
      %and3A_292 = arith.andi %not3A_290, %gt3A_291 : vector<16xi1>
      %select_n3A_293 = arith.select %and3A_292, %gather3A_287, %select_n3A_274 : vector<16xi1>, vector<16xf32>
      %select_n3A_294 = arith.select %gt3A_288, %select_n3A_277, %select_n3A_293 : vector<16xi1>, vector<16xf32>
      %select_n3A_295 = arith.select %and3A_292, %broadcast_in_dim3A_280, %select_n3A_276 : vector<16xi1>, vector<16xi32>
      %select_n3A_296 = arith.select %gt3A_288, %select_n3A_278, %select_n3A_295 : vector<16xi1>, vector<16xi32>
      %select_n3A_297 = arith.select %gt3A_288, %gather3A_287, %select_n3A_277 : vector<16xi1>, vector<16xf32>
      %select_n3A_298 = arith.select %gt3A_288, %broadcast_in_dim3A_280, %select_n3A_278 : vector<16xi1>, vector<16xi32>
      %broadcast_in_dim3A_299 = arith.constant 14 : i32
      %broadcast_in_dim3A_300 = vector.broadcast %broadcast_in_dim3A_299 : i32 to vector<16xi32>
      %mul3A_301 = arith.constant 16 : i32
      %mul3A_302 = vector.broadcast %mul3A_301 : i32 to vector<16xi32>
      %mul3A_303 = arith.muli %add3A_16, %mul3A_302 : vector<16xi32>
      %add3A_304 = arith.constant 14 : i32
      %add3A_305 = vector.broadcast %add3A_304 : i32 to vector<16xi32>
      %add3A_306 = arith.addi %mul3A_303, %add3A_305 : vector<16xi32>
      %gather3A_307 = tpu.vector_load_idx %arg5[%add3A_306] : memref<8192xf32, #tpu.memory_space<vmem>>[vector<16xi32>], vector<16xf32>,
      %gt3A_308 = arith.cmpf ogt, %gather3A_307, %select_n3A_297 : vector<16xf32>
      %not3A_309 = arith.constant dense<true> : vector<16xi1>
      %not3A_310 = arith.xori %gt3A_308, %not3A_309 : vector<16xi1>
      %gt3A_311 = arith.cmpf ogt, %gather3A_307, %select_n3A_294 : vector<16xf32>
      %and3A_312 = arith.andi %not3A_310, %gt3A_311 : vector<16xi1>
      %select_n3A_313 = arith.select %and3A_312, %gather3A_307, %select_n3A_294 : vector<16xi1>, vector<16xf32>
      %select_n3A_314 = arith.select %gt3A_308, %select_n3A_297, %select_n3A_313 : vector<16xi1>, vector<16xf32>
      %select_n3A_315 = arith.select %and3A_312, %broadcast_in_dim3A_300, %select_n3A_296 : vector<16xi1>, vector<16xi32>
      %select_n3A_316 = arith.select %gt3A_308, %select_n3A_298, %select_n3A_315 : vector<16xi1>, vector<16xi32>
      %select_n3A_317 = arith.select %gt3A_308, %gather3A_307, %select_n3A_297 : vector<16xi1>, vector<16xf32>
      %select_n3A_318 = arith.select %gt3A_308, %broadcast_in_dim3A_300, %select_n3A_298 : vector<16xi1>, vector<16xi32>
      %broadcast_in_dim3A_319 = arith.constant 15 : i32
      %broadcast_in_dim3A_320 = vector.broadcast %broadcast_in_dim3A_319 : i32 to vector<16xi32>
      %mul3A_321 = arith.constant 16 : i32
      %mul3A_322 = vector.broadcast %mul3A_321 : i32 to vector<16xi32>
      %mul3A_323 = arith.muli %add3A_16, %mul3A_322 : vector<16xi32>
      %add3A_324 = arith.constant 15 : i32
      %add3A_325 = vector.broadcast %add3A_324 : i32 to vector<16xi32>
      %add3A_326 = arith.addi %mul3A_323, %add3A_325 : vector<16xi32>
      %gather3A_327 = tpu.vector_load_idx %arg5[%add3A_326] : memref<8192xf32, #tpu.memory_space<vmem>>[vector<16xi32>], vector<16xf32>,
      %gt3A_328 = arith.cmpf ogt, %gather3A_327, %select_n3A_317 : vector<16xf32>
      %not3A_329 = arith.constant dense<true> : vector<16xi1>
      %not3A_330 = arith.xori %gt3A_328, %not3A_329 : vector<16xi1>
      %gt3A_331 = arith.cmpf ogt, %gather3A_327, %select_n3A_314 : vector<16xf32>
      %and3A_332 = arith.andi %not3A_330, %gt3A_331 : vector<16xi1>
      %select_n3A_333 = arith.select %and3A_332, %gather3A_327, %select_n3A_314 : vector<16xi1>, vector<16xf32>
      %select_n3A_334 = arith.select %gt3A_328, %select_n3A_317, %select_n3A_333 : vector<16xi1>, vector<16xf32>
      %select_n3A_335 = arith.select %and3A_332, %broadcast_in_dim3A_320, %select_n3A_316 : vector<16xi1>, vector<16xi32>
      %select_n3A_336 = arith.select %gt3A_328, %select_n3A_318, %select_n3A_335 : vector<16xi1>, vector<16xi32>
      %select_n3A_337 = arith.select %gt3A_328, %gather3A_327, %select_n3A_317 : vector<16xi1>, vector<16xf32>
      %select_n3A_338 = arith.select %gt3A_328, %broadcast_in_dim3A_320, %select_n3A_318 : vector<16xi1>, vector<16xi32>
      %sub3A = arith.subf %select_n3A_334, %select_n3A_337 : vector<16xf32>
      %exp3A = math.exp %sub3A : vector<16xf32>
      %add3A_339 = arith.constant 1.000000e+00 : f32
      %add3A_340 = vector.broadcast %add3A_339 : f32 to vector<16xf32>
      %add3A_341 = arith.addf %add3A_340, %exp3A : vector<16xf32>
      %mul3A_342 = arith.constant 2 : i32
      %mul3A_343 = vector.broadcast %mul3A_342 : i32 to vector<16xi32>
      %mul3A_344 = arith.muli %add3A_16, %mul3A_343 : vector<16xi32>
      %div3A = arith.constant 1.000000e+00 : f32
      %div3A_345 = vector.broadcast %div3A : f32 to vector<16xf32>
      %div3A_346 = arith.divf %div3A_345, %add3A_341 : vector<16xf32>
      tpu.vector_store_idx %arg6[%mul3A_344], %div3A_346 : memref<1024xf32, #tpu.memory_space<vmem>>[vector<16xi32>], vector<16xf32>,
      %mul3A_347 = arith.constant 2 : i32
      %mul3A_348 = vector.broadcast %mul3A_347 : i32 to vector<16xi32>
      %mul3A_349 = arith.muli %add3A_16, %mul3A_348 : vector<16xi32>
      %add3A_350 = arith.constant 1 : i32
      %add3A_351 = vector.broadcast %add3A_350 : i32 to vector<16xi32>
      %add3A_352 = arith.addi %mul3A_349, %add3A_351 : vector<16xi32>
      %div3A_353 = arith.divf %exp3A, %add3A_341 : vector<16xf32>
      tpu.vector_store_idx %arg6[%add3A_352], %div3A_353 : memref<1024xf32, #tpu.memory_space<vmem>>[vector<16xi32>], vector<16xf32>,
      %mul3A_354 = arith.constant 2 : i32
      %mul3A_355 = vector.broadcast %mul3A_354 : i32 to vector<16xi32>
      %mul3A_356 = arith.muli %add3A_16, %mul3A_355 : vector<16xi32>
      tpu.vector_store_idx %arg7[%mul3A_356], %select_n3A_338 : memref<1024xi32, #tpu.memory_space<vmem>>[vector<16xi32>], vector<16xi32>,
      %mul3A_357 = arith.constant 2 : i32
      %mul3A_358 = vector.broadcast %mul3A_357 : i32 to vector<16xi32>
      %mul3A_359 = arith.muli %add3A_16, %mul3A_358 : vector<16xi32>
      %add3A_360 = arith.constant 1 : i32
      %add3A_361 = vector.broadcast %add3A_360 : i32 to vector<16xi32>
      %add3A_362 = arith.addi %mul3A_359, %add3A_361 : vector<16xi32>
      tpu.vector_store_idx %arg7[%add3A_362], %select_n3A_336 : memref<1024xi32, #tpu.memory_space<vmem>>[vector<16xi32>], vector<16xi32>,
    }
    %scan3A_7 = arith.constant 32 : i32
    %mul3A_8 = arith.constant 1024 : i32
    %mul3A_9 = arith.muli %add3A, %mul3A_8 : i32
    "tpu.region"() ({
      %run_scoped3A = tpu.sem_alloc : memref<!tpu.dma_semaphore, #tpu.memory_space<semaphore_mem>>
      %dma_start3A = tpu.memref_slice %arg3[%mul3A_9] : memref<32768xf32, #tpu.memory_space<hbm>> -> memref<1024xf32, #tpu.memory_space<hbm>>
      %dma_start3A_12 = tpu.memref_slice %arg3[%mul3A_9] : memref<32768xf32, #tpu.memory_space<hbm>> -> memref<1024xf32, #tpu.memory_space<hbm>>
      tpu.enqueue_dma source(%arg6 : memref<1024xf32, #tpu.memory_space<vmem>>) target(%dma_start3A_12 : memref<1024xf32, #tpu.memory_space<hbm>>) target_semaphore(%run_scoped3A : memref<!tpu.dma_semaphore, #tpu.memory_space<semaphore_mem>>)
      %dma_wait3A = tpu.memref_slice %arg3[%mul3A_9] : memref<32768xf32, #tpu.memory_space<hbm>> -> memref<1024xf32, #tpu.memory_space<hbm>>
      %dma_wait3A_13 = tpu.memref_slice %arg3[%mul3A_9] : memref<32768xf32, #tpu.memory_space<hbm>> -> memref<1024xf32, #tpu.memory_space<hbm>>
      tpu.wait_dma2 semaphore(%run_scoped3A : memref<!tpu.dma_semaphore, #tpu.memory_space<semaphore_mem>>) src(%arg6 : memref<1024xf32, #tpu.memory_space<vmem>>) dst(%dma_wait3A_13 : memref<1024xf32, #tpu.memory_space<hbm>>)
      tpu.yield
    }) : () -> ()
    %mul3A_10 = arith.constant 1024 : i32
    %mul3A_11 = arith.muli %add3A, %mul3A_10 : i32
    "tpu.region"() ({
      %run_scoped3A = tpu.sem_alloc : memref<!tpu.dma_semaphore, #tpu.memory_space<semaphore_mem>>
      %dma_start3A = tpu.memref_slice %arg4[%mul3A_11] : memref<32768xi32, #tpu.memory_space<hbm>> -> memref<1024xi32, #tpu.memory_space<hbm>>
      %dma_start3A_12 = tpu.memref_slice %arg4[%mul3A_11] : memref<32768xi32, #tpu.memory_space<hbm>> -> memref<1024xi32, #tpu.memory_space<hbm>>
      tpu.enqueue_dma source(%arg7 : memref<1024xi32, #tpu.memory_space<vmem>>) target(%dma_start3A_12 : memref<1024xi32, #tpu.memory_space<hbm>>) target_semaphore(%run_scoped3A : memref<!tpu.dma_semaphore, #tpu.memory_space<semaphore_mem>>)
      %dma_wait3A = tpu.memref_slice %arg4[%mul3A_11] : memref<32768xi32, #tpu.memory_space<hbm>> -> memref<1024xi32, #tpu.memory_space<hbm>>
      %dma_wait3A_13 = tpu.memref_slice %arg4[%mul3A_11] : memref<32768xi32, #tpu.memory_space<hbm>> -> memref<1024xi32, #tpu.memory_space<hbm>>
      tpu.wait_dma2 semaphore(%run_scoped3A : memref<!tpu.dma_semaphore, #tpu.memory_space<semaphore_mem>>) src(%arg7 : memref<1024xi32, #tpu.memory_space<vmem>>) dst(%dma_wait3A_13 : memref<1024xi32, #tpu.memory_space<hbm>>)
      tpu.yield
    }) : () -> ()
    return
  }
}

module attributes {stable_mosaic.version = 14 : i64} {
  func.func @_matmul_body(%arg0: i32, %arg1: memref<1024x2048xf32, #tpu.memory_space<vmem>>, %arg2: memref<2048x16xf32, #tpu.memory_space<any>>, %arg3: memref<1024x16xf32, #tpu.memory_space<vmem>>, %arg4: memref<2048x16xf32, #tpu.memory_space<vmem>>, %arg5: memref<!tpu.dma_semaphore, #tpu.memory_space<semaphore_mem>>) attributes {dimension_semantics = [#tpu.dimension_semantics<arbitrary>], iteration_bounds = array<i64: 16>, scalar_prefetch = 0 : i64, scratch_operands = 2 : i64, tpu.core_type = #tpu.core_type<tc>, window_params = [{transform_indices = @transform_0, window_bounds = array<i64: 1024, 2048>}, {}, {transform_indices = @transform_2, window_bounds = array<i64: 1024, 16>}]} {
    %eq3A = arith.constant 0 : i32
    %eq3A_0 = arith.cmpi eq, %arg0, %eq3A : i32
    %convert_element_type3A = arith.extui %eq3A_0 : i1 to i32
    %cond3A = arith.constant 0 : i32
    %cond3A_1 = arith.cmpi ne, %convert_element_type3A, %cond3A : i32
    scf.if %cond3A_1 {
      tpu.enqueue_dma source(%arg2 : memref<2048x16xf32, #tpu.memory_space<any>>) target(%arg4 : memref<2048x16xf32, #tpu.memory_space<vmem>>) target_semaphore(%arg5 : memref<!tpu.dma_semaphore, #tpu.memory_space<semaphore_mem>>)
      tpu.wait_dma2 semaphore(%arg5 : memref<!tpu.dma_semaphore, #tpu.memory_space<semaphore_mem>>) src(%arg2 : memref<2048x16xf32, #tpu.memory_space<any>>) dst(%arg4 : memref<2048x16xf32, #tpu.memory_space<vmem>>)
    } else {
    }
    %get3A = arith.constant 0 : index
    %get3A_2 = arith.constant 0 : index
    %get3A_3 = vector.load %arg1[%get3A, %get3A_2] : memref<1024x2048xf32, #tpu.memory_space<vmem>>, vector<1024x2048xf32>
    %get3A_4 = arith.constant 0 : index
    %get3A_5 = arith.constant 0 : index
    %get3A_6 = vector.load %arg4[%get3A_4, %get3A_5] : memref<2048x16xf32, #tpu.memory_space<vmem>>, vector<2048x16xf32>
    %dot_general3A = arith.constant dense<0.000000e+00> : vector<1024x16xf32>
    %dot_general3A_7 = tpu.matmul %get3A_3, %get3A_6, %dot_general3A {dimension_numbers = #tpu.dot_dimension_numbers<[1], [0], [0], [1], [0, 0, 1, 1], [], []>, transpose_lhs_hint = false} : vector<1024x2048xf32>, vector<2048x16xf32>, vector<1024x16xf32> -> vector<1024x16xf32>
    %swap3A = arith.constant 0 : index
    %swap3A_8 = arith.constant 0 : index
    %swap3A_9 = vector.load %arg3[%swap3A, %swap3A_8] : memref<1024x16xf32, #tpu.memory_space<vmem>>, vector<1024x16xf32>
    tpu.vector_store %arg3[%swap3A, %swap3A_8], %dot_general3A_7 {strides = array<i32>} : memref<1024x16xf32, #tpu.memory_space<vmem>>, vector<1024x16xf32>,
    return
  }
  func.func @transform_0(%arg0: i32) -> (i32, i32) {
    %c0_i32 = arith.constant 0 : i32
    %c0_i32_0 = arith.constant 0 : i32
    return %arg0, %c0_i32 : i32, i32
  }
  func.func @transform_2(%arg0: i32) -> (i32, i32) {
    %c0_i32 = arith.constant 0 : i32
    %c0_i32_0 = arith.constant 0 : i32
    return %arg0, %c0_i32 : i32, i32
  }
}

</mosaic_0001>

<sc_bundles>
// kernel: kernel.4.cloned.1.call-start
scs
__scs_entry_jumppad:
0x0: {  	(pc) =	sbr.rel $0x88, $3  }
0x1: {  	(tag) =	ssettag $0x0;
	lr =	simm.s32 $0x1  }
0x2: {  	[smem:$0x3F9F] =	sst lr;
	_ =	strace $0xD0000000  }
0x3: {  	_ = 	snop  }
0x4: {  	_ = 	snop  }
0x5: {  	_ = 	snop  }
0x6: {  	_ = 	snop  }
0x7: {  	_ = 	snop  }
__scs_overlays_trampoline_lowered:
0x8: {  	[smem:$0x3FAE] =	sst s0  }
0x9: {  	[smem:$0x3FAF] =	sst s1  }
0xa: {  	[smem:$0x3FB0] =	sst s2  }
0xb: {  	[smem:$0x3FB1] =	sst s3  }
0xc: {  	[smem:$0x3FB2] =	sst s4  }
0xd: {  	[smem:$0x3FB3] =	sst s5  }
0xe: {  	[smem:$0x3FB4] =	sst s6  }
0xf: {  	[smem:$0x3FB5] =	sst s7  }
0x10: {  	[smem:$0x3FB6] =	sst s8  }
0x11: {  	[smem:$0x3FB7] =	sst s9;
	s0 =	simm.s32 @!p0 $0x0  }
0x12: {  	s1 =	sld [smem:$0x3F9D];
	s0 =	simm.s32 @p0 $0x1  }
0x13: {  	[smem:$0x3FB8] =	sst s0;
	s0 =	simm.s32 @!p1 $0x0  }
0x14: {  	s2 =	sld [smem:$0x3F9C];
	s0 =	simm.s32 @p1 $0x1  }
0x15: {  	[smem:$0x3FB9] =	sst s0;
	s0 =	simm.s32 @!p2 $0x0  }
0x16: {  	s3 =	sld [smem:$0x3FDB];
	s0 =	simm.s32 @p2 $0x1  }
0x17: {  	s4 =	simm.s32 $0x1BF5;
	[smem:$0x3FBB] =	sst s0  }
0x18: {  	s0 =	sld [smem:$0x3F9E];
	_ =	swait.ge [sflag:s4], $0x0  }
0x19: {  	s7 =	sld [smem:$0x3F9F]  }
0x1a: {  	s8 =	sadd.s32 $0xFFFFE003, lr  }
0x1b: {  	s9 =	sadd.s32 $0xFFFFFEF7, lr;
	s5 =	simm.s32 $0xFFFFFFFF;
	p2 =	slt.u32 s8, $0xFFFFF086  }
0x1c: {  	p1 =	slt.u32 s9, $0xF7A;
	s5 =	simm.s32 @!p2 $0x0  }
0x1d: {  	s5 =	simm.s32 @p1 $0x1;
	p0 =	seq.s32 s7, s2  }
0x1e: {  	s7 =	smul.u32 @!p0 $0xF7A, s2;
	p2 =	seq.s32 @!p0 s5, $0x0  }
0x1f: {  	s9 =	smul.u32 $0xF7A, s1;
	s8 =	simm.s32 @!p0 $0x1BF5;
	p2 =	por !p2, p0  }
0x20: {  	[sflag:s8] =	ssyncset.s32 @!p0 $0xFFFFF086;
	s6 =	sadd.s32 @!p0 s3, s7;
	s7 =	simm.s32 @!p0 $0x108  }
0x21: {  	s3 =	sadd.s32 s3, s9;
	s6 =	sadd.s32 @!p0 $0x88, s6;
	s7 =	simm.s32 @p2 $0x1082  }
0x22: {  	[simem:s7], [sflag:s8] =	dma.local @!p0 [hbm:s6], $0xF7A  }
0x23: {  	s9 =	sor.u32 $0xD0000000, s2;
	s6 =	simm.s32 $0x108;
	_ =	swait.ge @!p0 [sflag:s8], $0x0  }
0x24: {  	s3 =	sadd.s32 $0x88, s3;
	s6 =	simm.s32 @!p1 $0x1082;
	[sflag:s4] =	ssyncset.s32 $0xFFFFF086  }
0x25: {  	[simem:s6], [sflag:s4] =	dma.local [hbm:s3], $0xF7A  }
0x26: {  	[smem:$0x3F9F] =	sst s1;
	(tag) =	ssettag s2;
	_ =	strace s9  }
0x27: {  	s1 =	sld [smem:$0x3FAF]  }
0x28: {  	s2 =	sld [smem:$0x3FB0]  }
0x29: {  	s4 =	sld [smem:$0x3FB2]  }
0x2a: {  	p0 =	seq.s32 s5, $0x0;
	s5 =	sld [smem:$0x3FB3]  }
0x2b: {  	s6 =	sld [smem:$0x3FB4]  }
0x2c: {  	s7 =	sld [smem:$0x3FB5]  }
0x2d: {  	s3 =	simm.s32 $0x108;
	s8 =	sld [smem:$0x3FB6]  }
0x2e: {  	s3 =	simm.s32 @!p0 $0x1082;
	s9 =	sld [smem:$0x3FB7]  }
0x2f: {  	lr =	sadd.s32 s0, s3;
	s0 =	sld [smem:$0x3FAE]  }
0x30: {  	s3 =	sld [smem:$0x3FB1]  }
0x31: {  	[smem:$0x3FBA] =	sst s10  }
0x32: {  	s10 =	sld [smem:$0x3FB8];
	_ =	sdelay $0x3  }
0x33: {  	p0 =	seq.s32 s10, $0x1;
	s10 =	sld [smem:$0x3FBA];
	_ =	sdelay $0x3  }
0x34: {  	[smem:$0x3FBA] =	sst s10  }
0x35: {  	s10 =	sld [smem:$0x3FB9];
	_ =	sdelay $0x3  }
0x36: {  	p1 =	seq.s32 s10, $0x1;
	s10 =	sld [smem:$0x3FBA];
	_ =	sdelay $0x3  }
0x37: {  	[smem:$0x3FBA] =	sst s10  }
0x38: {  	s10 =	sld [smem:$0x3FBB]  }
0x39: {  	_ = 	snop;
	(pc) =	sbr.ind lr, $3  }
0x3a: {  	_ = 	snop  }
0x3b: {  	_ = 	snop  }
0x3c: {  	p2 =	seq.s32 s10, $0x1;
	s10 =	sld [smem:$0x3FBA]  }
0x3d: {  	_ =	shalt  }
0x3e: {  	_ =	shalt  }
0x3f: {  	_ =	shalt  }
0x40: {  	_ =	shalt  }
0x41: {  	_ =	shalt  }
0x42: {  	_ =	shalt  }
0x43: {  	_ =	shalt  }
0x44: {  	_ =	shalt  }
0x45: {  	_ =	shalt  }
0x46: {  	_ =	shalt  }
0x47: {  	_ =	shalt  }
0x48: {  	_ =	shalt  }
0x49: {  	_ =	shalt  }
0x4a: {  	_ =	shalt  }
0x4b: {  	_ =	shalt  }
0x4c: {  	_ =	shalt  }
0x4d: {  	_ =	shalt  }
0x4e: {  	_ =	shalt  }
0x4f: {  	_ =	shalt  }
0x50: {  	_ =	shalt  }
0x51: {  	_ =	shalt  }
0x52: {  	_ =	shalt  }
0x53: {  	_ =	shalt  }
0x54: {  	_ =	shalt  }
0x55: {  	_ =	shalt  }
0x56: {  	_ =	shalt  }
0x57: {  	_ =	shalt  }
0x58: {  	_ =	shalt  }
0x59: {  	_ =	shalt  }
0x5a: {  	_ =	shalt  }
0x5b: {  	_ =	shalt  }
0x5c: {  	_ =	shalt  }
0x5d: {  	_ =	shalt  }
0x5e: {  	_ =	shalt  }
0x5f: {  	_ =	shalt  }
0x60: {  	_ =	shalt  }
0x61: {  	_ =	shalt  }
0x62: {  	_ =	shalt  }
0x63: {  	_ =	shalt  }
0x64: {  	_ =	shalt  }
0x65: {  	_ =	shalt  }
0x66: {  	_ =	shalt  }
0x67: {  	_ =	shalt  }
0x68: {  	_ =	shalt  }
0x69: {  	_ =	shalt  }
0x6a: {  	_ =	shalt  }
0x6b: {  	_ =	shalt  }
0x6c: {  	_ =	shalt  }
0x6d: {  	_ =	shalt  }
0x6e: {  	_ =	shalt  }
0x6f: {  	_ =	shalt  }
0x70: {  	_ =	shalt  }
0x71: {  	_ =	shalt  }
0x72: {  	_ =	shalt  }
0x73: {  	_ =	shalt  }
0x74: {  	_ =	shalt  }
0x75: {  	_ =	shalt  }
0x76: {  	_ =	shalt  }
0x77: {  	_ =	shalt  }
0x78: {  	_ =	shalt  }
0x79: {  	_ =	shalt  }
0x7a: {  	_ =	shalt  }
0x7b: {  	_ =	shalt  }
0x7c: {  	_ =	shalt  }
0x7d: {  	_ =	shalt  }
0x7e: {  	_ =	shalt  }
0x7f: {  	_ =	shalt  }
0x80: {  	_ =	shalt  }
0x81: {  	_ =	shalt  }
0x82: {  	_ =	shalt  }
0x83: {  	_ =	shalt  }
0x84: {  	_ =	shalt  }
0x85: {  	_ =	shalt  }
0x86: {  	_ =	shalt  }
0x87: {  	_ =	shalt  }
.Lfunc_end0:
.L_simem_size_0:
called_computation_lowered:
.L_overlay_start_0:
0x88: {  	s2 =	sld [smem:$0x3FD9]  }
0x89: {  	s3 =	sld [smem:$0x3FFE];
	_ =	sdelay $0x1  }
0x8a: {  	s1 =	srdreg.scid  }
0x8b: {  	s0 =	sand.u32 $0x1, s1  }
0x8c: {  	s14 =	sshll.u32 s0, $0xA;
	s2 =	sadd.s32 s3, s2  }
0x8d: {  	s2 =	sadd.s32 s2, s14  }
0x8e: {  	[smem:$0x3FC6] =	sst s2  }
0x8f: {  	_ = 	snop  }
0x90: {  	s2 =	sld [smem:$0x3FD0];
	_ =	sdelay $0x2  }
0x91: {  	s15 =	simm.s32 $0xA;
	s4 =	simm.s32 $0x10  }
0x92: {  	[smem:s4], [sflag:s15] =	dma.local [hbm:s2], $0x1  }
0x93: {  	_ =	swait.eq [sflag:s15], $0x1  }
0x94: {  	[sflag:s15] =	ssyncset.done $0x0  }
0x95: {  	[sflag:s15] =	ssyncadd.s32 $0xFFFFFFFF  }
0x96: {  	s16 =	sld [smem:$0x11];
	(tm) =	ssettm $0x1  }
0x97: {  	s17 =	sld [smem:$0x3FFB];
	_ =	sdelay $0x3  }
0x98: {  	_ =	strace s17  }
0x99: {  	s3 =	sld [smem:$0x3FFC];
	_ =	sdelay $0x3  }
0x9a: {  	_ =	strace s3  }
0x9b: {  	s3 =	sld [smem:$0x3FFD];
	_ =	sdelay $0x3  }
0x9c: {  	_ =	strace s3  }
0x9d: {  	_ =	strace $0x8FFFFFFF  }
0x9e: {  	s18 =	sld [smem:$0x3FDB];
	_ =	sdelay $0x1  }
0x9f: {  	s19 =	simm.s32 $_scs_section_size  }
0xa0: {  	s5 =	simm.s32 $_size__tile_overlayer_lowered;
	s6 =	simm.s32 $_tile_overlayer_lowered  }
0xa1: {  	s22 =	simm.s32 $0x1BFF;
	s21 =	sshll.u32 s6, $0x1;
	s3 =	sadd.s32 s19, s18  }
0xa2: {  	s7 =	simm.s32 $0x0;
	s20 =	sshll.u32 s5, $0x1;
	s5 =	sadd.s32 s21, s3  }
0xa3: {  	[timem:s7], [sflag:s22] =	dma.local [hbm:s5], s20  }
0xa4: {  	_ =	swait.ge [sflag:s22], s20  }
0xa5: {  	s4 =	ssub.s32 $0x0, s20;
	[sflag:s22] =	ssyncset.done $0x0  }
0xa6: {  	[sflag:s22] =	ssyncadd.s32 s4;
	_ =	sdelay $0x1  }
0xa7: {  	s23 =	simm.s32 $0x1B8B  }
0xa8: {  	_ =	swait.ge [sflag:s23], $0x1  }
0xa9: {  	[sflag:s23] =	ssyncset.done $0x0  }
0xaa: {  	s25 =	simm.s32 $0x1B8E;
	s24 =	sld [smem:$0x3FFE];
	[sflag:s23] =	ssyncadd.s32 $0xFFFFFFFF  }
0xab: {  	s26 =	simm.s32 $execute0_lowered;
	[smem:$0x3FD2] =	sst s25  }
0xac: {  	s5 =	sshll.u32 s26, $0x1;
	_ =	strace $0x80000046;
	[dreg:$0x1] =	wrdreg $0xFFFFFFFF  }
0xad: {  	s28 =	simm.s32 $_size_execute0_lowered;
	s3 =	sadd.s32 s3, s5;
	[dreg:$0x0] =	wrdreg $0x0  }
0xae: {  	s5 =	sshll.u32 s28, $0x1;
	[dreg:$0x2] =	wrdreg s3  }
0xaf: {  	[dreg:$0x3] =	wrdreg s5  }
0xb0: {  	[dreg:$0x4] =	wrdreg $0xC0  }
0xb1: {  	_ =	task [dreg:s7], $0x5FFFF  }
0xb2: {  	[dreg:$0x1] =	wrdreg $0xFFFFFFFF  }
0xb3: {  	[dreg:$0x0] =	wrdreg $0x60  }
0xb4: {  	[dreg:$0x2] =	wrdreg s24  }
0xb5: {  	[dreg:$0x3] =	wrdreg s16  }
0xb6: {  	[dreg:$0x4] =	wrdreg $0x9  }
0xb7: {  	_ =	task.clear_ibuf [dreg:s7], $0x5FFFF;
	_ =	strace $0x90000046  }
0xb8: {  	s29 =	simm.s32 $0x9;
	_ =	strace $0x80000048  }
0xb9: {  	_ =	swait.ge [sflag:s29], $0x1  }
0xba: {  	[sflag:s29] =	ssyncadd.s32 $0xFFFFFFFF  }
0xbb: {  	_ =	strace $0x90000048  }
0xbc: {  	_ =	sfence  }
0xbd: {  	s30 =	sld [smem:$0x0];
	_ =	sdelay $0x2  }
0xbe: {  	s31 =	sshll.u32 s1, $0xD;
	s1 =	sshrl.u32 s1, $0x2  }
0xbf: {  	s3 =	sand.u32 $0x4000, s31;
	s1 =	sadd.s32 s1, s30  }
0xc0: {  	s0 =	sor.u32 s3, s0;
	s1 =	sshll.u32 s1, $0x11  }
0xc1: {  	s0 =	sor.u32 s1, s0  }
0xc2: {  	s0 =	sadd.s32 $0x8F2B, s0  }
0xc3: {  	[sflag:s0] =	ssyncadd.remote.s32 $0x1  }
0xc4: {  	_ =	sfence.sel $0xFFFF  }
0xc5: {  	[dreg:$0x0] =	wrdreg $0xFFFFFFFF;
	(pc) =	sbr.abs _section_cstart, $3  }
0xc6: {  	[dreg:$0x1] =	wrdreg $0xFFFFFFFF  }
0xc7: {  	_ =	task.clear_ibuf [dreg:s7], $0x2FFFF;
	_ =	strace $0x9FFFFFFF  }
0xc8: {  	(tm) =	ssettm $0x7FFFFFFF  }
0xc9: {  	_ =	shalt  }
tec
execute0_lowered:
.L_overlay_start_1:
0x0: {  	(tag) =	ssettag $0x1  }
0x1: {  	s3 =	rddreg [dreg:$0x0]  }
0x2: {  	s4 =	rddreg [dreg:$0x1]  }
0x3: {  	s0 =	rddreg [dreg:$0x2]  }
0x4: {  	s5 =	srdreg.scid;
	s1 =	stileid.u32  }
0x5: {  	s2 =	simm.s32 $0x0;
	s5 =	sand.u32 $0x1, s5;
	s6 =	sshll.u32 s1, $0x1  }
0x6: {  	s10 =	simm.s32 $0x0;
	[smem:$0x7FF] =	sst s2;
	s6 =	sor.u32 s5, s6  }
0x7: {  	_ =	strace $0x80000047;
	s5 =	ssub.s32 $0x2, s5;
	s7 =	sshll.u32 s6, $0xA  }
0x8: {  	s6 =	sshll.u32 s6, $0x7;
	s31 =	sshrl.u32 s5, $0x1;
	s7 =	sadd.s32 s7, s3  }
0x9: {  	s8 =	sadd.s32 s6, s3;
	s9 =	ssub.s32 s5, s31;
	s4 =	sadd.s32 s4, s6  }
0xa: {  	s3 =	sadd.s32 $0xA00, s7;
	s5 =	sadd.s32 $0x8A00, s8;
	s6 =	smax.u32 s9, $0x1  }
0xb: {  	v0 =	vlaneseq.u32;
	v1 =	vimm.s32 $0x0;
	s7 =	simm.s32 $0x1;
	s8 =	simm.s32 $0x2000;
	s9 =	simm.s32 $0x2400  }
.LBB2_1:
0xc: {  	v2 =	vor.u32 s2, v0  }
0xd: {  	v3 =	vshll.u32 v2, $0x4  }
0xe: {  	[tilespmem:s2], [sflag:$0x1] =	stream.linear.gather [hbm4b:s3+s2], $0x2000, $0x38;
	[tilespmem:$0x2800] =	vst v63  }
0xf: {  	_ =	swait.ge [sflag:s7], $0x2000;
	v4 =	vor.u32 $0x1, v3  }
0x10: {  	[sflag:s7] =	ssyncset.done $0x0  }
0x11: {  	[sflag:s7] =	ssyncadd.s32 $0xFFFFE000  }
0x12: {  	v5 =	vld.idx.msk [tilespmem:v3+s2+$0x0], $0xffff  }
0x13: {  	v6 =	vor.u32 $0x2, v3  }
0x14: {  	v4 =	vld.idx.msk [tilespmem:v4+s2+$0x0], $0xffff;
	_ =	sdelay $0x2  }
0x15: {  	vm0 =	vgt.f32 v5, $-Inf  }
0x16: {  	v8 =	vimm.s32 $0x0;
	v7 =	vor.u32 $0x3, v3;
	v6 =	vld.idx.msk [tilespmem:v6+s2+$0x0], $0xffff;
	v5 =	vnsel vm0, $0xFF800000, v5  }
0x17: {  	vm13 =	vlt.f32 v4, $-Inf;
	vm1 =	vgt.f32 v4, $-Inf;
	vm2 =	vgt.f32 v4, v5  }
0x18: {  	vm0 =	vmor vm1, vm13;
	v8 =	vsel vm2, $0xFFFFFFFF, v8;
	vm2 =	vmneg vm2  }
0x19: {  	vm13 =	vmand vm0, vm2  }
0x1a: {  	[tilespmem:$0x1FF20] =	vst v8;
	v8 =	vor.u32 $0x4, v3;
	v9 =	vsel vm2, v5, v4;
	v4 =	vnsel vm13, $0xFF800000, v4  }
0x1b: {  	v7 =	vld.idx.msk [tilespmem:v7+s2+$0x0], $0xffff;
	vm14 =	vgt.f32 v6, v9;
	v4 =	vsel vm2, v4, v5  }
0x1c: {  	vm9 =	vmneg vm14;
	vm15 =	vgt.f32 v6, v4  }
0x1d: {  	v10 =	vimm.s32 $0x0;
	vm0 =	vmand vm9, vm15  }
0x1e: {  	v10 =	vsel vm0, $0xFFFFFFFF, v10  }
0x1f: {  	v5 =	vor.u32 $0x5, v3;
	v8 =	vld.idx.msk [tilespmem:v8+s2+$0x0], $0xffff;
	v4 =	vsel vm0, v6, v4;
	[tilespmem:$0x1FF30] =	vst v10;
	v10 =	vsel vm9, v9, v6  }
0x20: {  	v4 =	vsel vm9, v4, v9;
	vm4 =	vgt.f32 v7, v10  }
0x21: {  	vm5 =	vgt.f32 v7, v4;
	vm8 =	vmneg vm4  }
0x22: {  	vm0 =	vmand vm8, vm5  }
0x23: {  	v4 =	vsel vm0, v7, v4;
	v7 =	vsel vm8, v10, v7  }
0x24: {  	v6 =	vor.u32 $0x6, v3;
	v5 =	vld.idx.msk [tilespmem:v5+s2+$0x0], $0xffff;
	v4 =	vsel vm8, v4, v10;
	vm6 =	vgt.f32 v8, v7  }
0x25: {  	v9 =	vimm.s32 $0x0;
	vm6 =	vmneg vm6;
	vm7 =	vgt.f32 v8, v4  }
0x26: {  	v9 =	vsel vm0, $0xFFFFFFFF, v9;
	v10 =	vimm.s32 $0x0;
	vm0 =	vmand vm6, vm7  }
0x27: {  	[tilespmem:$0x1FF40] =	vst v9;
	v10 =	vsel vm0, $0xFFFFFFFF, v10  }
0x28: {  	v9 =	vor.u32 $0x7, v3;
	v4 =	vsel vm0, v8, v4;
	[tilespmem:$0x1FF50] =	vst v10;
	v10 =	vsel vm6, v7, v8  }
0x29: {  	v6 =	vld.idx.msk [tilespmem:v6+s2+$0x0], $0xffff;
	v4 =	vsel vm6, v4, v7;
	vm10 =	vgt.f32 v5, v10  }
0x2a: {  	vm11 =	vgt.f32 v5, v4;
	vm7 =	vmneg vm10  }
0x2b: {  	v8 =	vimm.s32 $0x0;
	vm0 =	vmand vm7, vm11  }
0x2c: {  	v8 =	vsel vm0, $0xFFFFFFFF, v8  }
0x2d: {  	v7 =	vor.u32 $0x8, v3;
	v4 =	vsel vm0, v5, v4;
	[tilespmem:$0x1FF60] =	vst v8;
	v8 =	vld.idx.msk [tilespmem:v9+s2+$0x0], $0xffff;
	v9 =	vsel vm7, v10, v5  }
0x2e: {  	v4 =	vsel vm7, v4, v10;
	vm12 =	vgt.f32 v6, v9  }
0x2f: {  	vm14 =	vgt.f32 v6, v4;
	vm10 =	vmneg vm12  }
0x30: {  	v10 =	vimm.s32 $0x0;
	vm0 =	vmand vm10, vm14  }
0x31: {  	v10 =	vsel vm0, $0xFFFFFFFF, v10  }
0x32: {  	v5 =	vor.u32 $0x9, v3;
	v7 =	vld.idx.msk [tilespmem:v7+s2+$0x0], $0xffff;
	v4 =	vsel vm0, v6, v4;
	[tilespmem:$0x1FF70] =	vst v10;
	v10 =	vsel vm10, v9, v6  }
0x33: {  	v4 =	vsel vm10, v4, v9;
	vm15 =	vgt.f32 v8, v10  }
0x34: {  	vm4 =	vgt.f32 v8, v4;
	vm12 =	vmneg vm15  }
0x35: {  	vm0 =	vmand vm12, vm4  }
0x36: {  	v4 =	vsel vm0, v8, v4;
	v8 =	vsel vm12, v10, v8  }
0x37: {  	v6 =	vor.u32 $0xA, v3;
	v5 =	vld.idx.msk [tilespmem:v5+s2+$0x0], $0xffff;
	v4 =	vsel vm12, v4, v10;
	vm5 =	vgt.f32 v7, v8  }
0x38: {  	v9 =	vimm.s32 $0x0;
	vm14 =	vmneg vm5;
	vm11 =	vgt.f32 v7, v4  }
0x39: {  	v9 =	vsel vm0, $0xFFFFFFFF, v9;
	v10 =	vimm.s32 $0x0;
	vm0 =	vmand vm14, vm11  }
0x3a: {  	[tilespmem:$0x1FF80] =	vst v9;
	v10 =	vsel vm0, $0xFFFFFFFF, v10  }
0x3b: {  	v9 =	vor.u32 $0xB, v3;
	v4 =	vsel vm0, v7, v4;
	[tilespmem:$0x1FF90] =	vst v10;
	v10 =	vsel vm14, v8, v7  }
0x3c: {  	v6 =	vld.idx.msk [tilespmem:v6+s2+$0x0], $0xffff;
	v4 =	vsel vm14, v4, v8;
	vm15 =	vgt.f32 v5, v10  }
0x3d: {  	vm4 =	vgt.f32 v5, v4;
	vm15 =	vmneg vm15  }
0x3e: {  	v8 =	vimm.s32 $0x0;
	vm0 =	vmand vm15, vm4  }
0x3f: {  	v8 =	vsel vm0, $0xFFFFFFFF, v8  }
0x40: {  	v7 =	vor.u32 $0xC, v3;
	v4 =	vsel vm0, v5, v4;
	[tilespmem:$0x1FFA0] =	vst v8;
	v8 =	vld.idx.msk [tilespmem:v9+s2+$0x0], $0xffff;
	v9 =	vsel vm15, v10, v5  }
0x41: {  	v4 =	vsel vm15, v4, v10;
	vm5 =	vgt.f32 v6, v9  }
0x42: {  	vm11 =	vgt.f32 v6, v4;
	vm5 =	vmneg vm5  }
0x43: {  	v10 =	vimm.s32 $0x0;
	vm0 =	vmand vm5, vm11  }
0x44: {  	v5 =	vor.u32 $0xD, v3;
	v10 =	vsel vm0, $0xFFFFFFFF, v10  }
0x45: {  	v7 =	vld.idx.msk [tilespmem:v7+s2+$0x0], $0xffff;
	v4 =	vsel vm0, v6, v4;
	[tilespmem:$0x1FFB0] =	vst v10;
	v10 =	vsel vm5, v9, v6  }
0x46: {  	v4 =	vsel vm5, v4, v9;
	vm4 =	vgt.f32 v8, v10  }
0x47: {  	vm11 =	vgt.f32 v8, v4;
	vm4 =	vmneg vm4  }
0x48: {  	vm0 =	vmand vm4, vm11  }
0x49: {  	v6 =	vor.u32 $0xE, v3;
	v5 =	vld.idx.msk [tilespmem:v5+s2+$0x0], $0xffff;
	v4 =	vsel vm0, v8, v4;
	v8 =	vsel vm4, v10, v8  }
0x4a: {  	v4 =	vsel vm4, v4, v10;
	vm11 =	vgt.f32 v7, v8  }
0x4b: {  	v9 =	vimm.s32 $0x0;
	vm3 =	vmneg vm11;
	vm11 =	vgt.f32 v7, v4  }
0x4c: {  	v9 =	vsel vm0, $0xFFFFFFFF, v9;
	vm0 =	vmand vm3, vm11  }
0x4d: {  	v4 =	vsel vm0, v7, v4;
	v7 =	vsel vm3, v8, v7  }
0x4e: {  	v3 =	vor.u32 $0xF, v3;
	v6 =	vld.idx.msk [tilespmem:v6+s2+$0x0], $0xffff;
	v4 =	vsel vm3, v4, v8;
	vm11 =	vgt.f32 v5, v7  }
0x4f: {  	[tilespmem:$0x1FFC0] =	vst v9;
	v9 =	vimm.s32 $0x0;
	vm2 =	vmneg vm11;
	vm11 =	vgt.f32 v5, v4  }
0x50: {  	v9 =	vsel vm0, $0xFFFFFFFF, v9;
	v8 =	vimm.s32 $0x0;
	vm0 =	vmand vm2, vm11  }
0x51: {  	v8 =	vsel vm0, $0xFFFFFFFF, v8  }
0x52: {  	v4 =	vsel vm0, v5, v4;
	[tilespmem:$0x1FFE0] =	vst v8;
	v8 =	vsel vm2, v7, v5  }
0x53: {  	v4 =	vsel vm2, v4, v7;
	vm11 =	vgt.f32 v6, v8  }
0x54: {  	vm1 =	vmneg vm11;
	vm11 =	vgt.f32 v6, v4  }
0x55: {  	v3 =	vld.idx.msk [tilespmem:v3+s2+$0x0], $0xffff;
	v5 =	vimm.s32 $0x0;
	vm0 =	vmand vm1, vm11  }
0x56: {  	v7 =	vld [tilespmem:$0x1FF20];
	v5 =	vsel vm0, $0xFFFFFFFF, v5;
	v4 =	vsel vm0, v6, v4  }
0x57: {  	[tilespmem:$0x1FFF0] =	vst v5;
	v5 =	vsel vm1, v8, v6;
	v4 =	vsel vm1, v4, v8;
	v8 =	vld [tilespmem:$0x1FF30];
	_ =	sdelay $0x2  }
0x58: {  	v6 =	vsel vm13, $0x1, v1;
	vm11 =	vgt.f32 v3, v5  }
0x59: {  	vm13 =	vnez.u8 v7;
	vm0 =	vmneg vm11;
	vm11 =	vgt.f32 v3, v4  }
0x5a: {  	v7 =	vsel vm13, $0x1, v1;
	vm11 =	vmand vm0, vm11;
	vm13 =	vnez.u8 v8  }
0x5b: {  	v4 =	vsel vm11, v3, v4;
	v3 =	vsel vm0, v5, v3;
	v6 =	vsel vm13, $0x2, v6  }
0x5c: {  	v4 =	vsel vm0, v4, v5;
	v5 =	vsel vm9, v6, v7;
	v6 =	vnsel vm9, $0x2, v7;
	v7 =	vld [tilespmem:$0x1FF40];
	_ =	sdelay $0x4  }
0x5d: {  	vm13 =	vnez.u8 v7  }
0x5e: {  	v5 =	vsel vm13, $0x3, v5  }
0x5f: {  	v3 =	vsub.f32 v4, v3;
	v4 =	vsel vm8, v5, v6;
	v5 =	vnsel vm8, $0x3, v6;
	v6 =	vld [tilespmem:$0x1FF50];
	_ =	sdelay $0x4  }
0x60: {  	vm13 =	vnez.u8 v6;
	v6 =	vld [tilespmem:$0x1FF60];
	_ =	sdelay $0x3  }
0x61: {  	v4 =	vsel vm13, $0x4, v4  }
0x62: {  	v3 =	vmul.f32 $1.442695020e+00, v3;
	v4 =	vsel vm6, v4, v5;
	vm13 =	vnez.u8 v6  }
0x63: {  	v5 =	vnsel vm6, $0x4, v5;
	v4 =	vsel vm13, $0x5, v4  }
0x64: {  	(erf) = vpow2.f32 v3;
	v3 =	vsel vm7, v4, v5;
	v4 =	vnsel vm7, $0x5, v5;
	v5 =	vld [tilespmem:$0x1FF70];
	_ =	sdelay $0x4  }
0x65: {  	vm9 =	vnez.u8 v5;
	v5 =	vld [tilespmem:$0x1FF80];
	_ =	sdelay $0x3  }
0x66: {  	v3 =	vsel vm9, $0x6, v3  }
0x67: {  	v3 =	vsel vm10, v3, v4;
	v4 =	vnsel vm10, $0x6, v4;
	vm10 =	vnez.u8 v5;
	v5 =	vld [tilespmem:$0x1FF90];
	_ =	sdelay $0x4  }
0x68: {  	vm13 =	vnez.u8 v5;
	v5 =	vld [tilespmem:$0x1FFA0];
	_ =	sdelay $0x4  }
0x69: {  	vm9 =	vnez.u8 v5;
	v5 =	vld [tilespmem:$0x1FFB0];
	_ =	sdelay $0x3  }
0x6a: {  	v7 =	vpop (erf)  }
0x6b: {  	v3 =	vsel vm10, $0x7, v3;
	vm10 =	vnez.u8 v5;
	v5 =	vadd.f32 $1.000000000e+00, v7  }
0x6c: {  	[tilespmem:$0x1FFD0] =	vst v9  }
0x6d: {  	(erf) = vrcp.f32 v5;
	v5 =	vld [tilespmem:$0x1FFD0];
	_ =	sdelay $0x2  }
0x6e: {  	v3 =	vsel vm12, v3, v4  }
0x6f: {  	v6 =	vld [tilespmem:$0x1FFC0];
	v4 =	vnsel vm12, $0x7, v4;
	v3 =	vsel vm13, $0x8, v3  }
0x70: {  	v3 =	vsel vm14, v3, v4;
	vm13 =	vnez.u8 v5;
	v5 =	vld [tilespmem:$0x1FFE0]  }
0x71: {  	v4 =	vnsel vm14, $0x8, v4;
	v3 =	vsel vm9, $0x9, v3  }
0x72: {  	v3 =	vsel vm15, v3, v4  }
0x73: {  	v4 =	vnsel vm15, $0x9, v4;
	v3 =	vsel vm10, $0xA, v3  }
0x74: {  	vm12 =	vnez.u8 v6;
	v3 =	vsel vm5, v3, v4  }
0x75: {  	v4 =	vnsel vm5, $0xA, v4;
	v3 =	vsel vm12, $0xB, v3;
	vm14 =	vnez.u8 v5;
	v5 =	vld [tilespmem:$0x1FFF0]  }
0x76: {  	v3 =	vsel vm4, v3, v4  }
0x77: {  	v4 =	vnsel vm4, $0xB, v4;
	v3 =	vsel vm13, $0xC, v3  }
0x78: {  	v3 =	vsel vm3, v3, v4  }
0x79: {  	v4 =	vnsel vm3, $0xC, v4;
	v3 =	vsel vm14, $0xD, v3  }
0x7a: {  	v3 =	vsel vm2, v3, v4;
	vm15 =	vnez.u8 v5  }
0x7b: {  	v8 =	vshll.u32 v2, $0x1;
	v4 =	vnsel vm2, $0xD, v4;
	v3 =	vsel vm15, $0xE, v3  }
0x7c: {  	v6 =	vor.u32 $0x1, v8;
	v2 =	vsel vm1, v3, v4  }
0x7d: {  	s11 =	simm.s32 $0x10;
	v4 =	vnsel vm1, $0xE, v4;
	v2 =	vsel vm11, $0xF, v2  }
0x7e: {  	v9 =	vpop (erf);
	v5 =	vsel vm0, v2, v4;
	v2 =	vor.u32 s11, v0  }
0x7f: {  	v11 =	vnsel vm0, $0xF, v4;
	v4 =	vmul.f32 v9, v7;
	v3 =	vshll.u32 v2, $0x4  }
0x80: {  	[tilespmem:v8+s8+$0x0] =	vst.idx.msk $0xffff, v9;
	v17 =	vor.u32 $0x1, v3;
	v16 =	vor.u32 $0x2, v3;
	v15 =	vor.u32 $0x3, v3  }
0x81: {  	v14 =	vor.u32 $0x4, v3;
	v13 =	vor.u32 $0x5, v3;
	v12 =	vor.u32 $0x6, v3;
	[tilespmem:v6+s8+$0x0] =	vst.idx.msk $0xffff, v4  }
0x82: {  	s11 =	simm.s32 $0x20;
	v10 =	vor.u32 $0x7, v3;
	v7 =	vor.u32 $0x8, v3;
	v4 =	vor.u32 $0x9, v3;
	[tilespmem:v8+s9+$0x0] =	vst.idx.msk $0xffff, v11  }
.LBB2_2:
0x83: {  	p0 =	sne.s32 s11, $0x1F0;
	v11 =	vor.u32 $0xA, v3;
	v9 =	vor.u32 $0xB, v3;
	v8 =	vor.u32 $0xC, v3;
	[tilespmem:v6+s9+$0x0] =	vst.idx.msk $0xffff, v5;
	s12 =	smov.u32 s11;
	s11 =	sadd.s32 $0x10, s11  }
0x84: {  	v6 =	vor.u32 $0xD, v3;
	v5 =	vor.u32 $0xE, v3;
	v18 =	vld.idx.msk [tilespmem:v3+s2+$0x0], $0xffff;
	v3 =	vor.u32 $0xF, v3;
	_ =	sdelay $0x1  }
0x85: {  	v17 =	vld.idx.msk [tilespmem:v17+s2+$0x0], $0xffff;
	_ =	sdelay $0x2  }
0x86: {  	v16 =	vld.idx.msk [tilespmem:v16+s2+$0x0], $0xffff  }
0x87: {  	vm0 =	vgt.f32 v18, $-Inf  }
0x88: {  	v18 =	vnsel vm0, $0xFF800000, v18  }
0x89: {  	vm0 =	vgt.f32 v17, v18;
	vm1 =	vlt.f32 v17, $-Inf;
	vm2 =	vgt.f32 v17, $-Inf  }
0x8a: {  	vm3 =	vmneg vm0;
	vm1 =	vmor vm2, vm1;
	v15 =	vld.idx.msk [tilespmem:v15+s2+$0x0], $0xffff  }
0x8b: {  	vm1 =	vmand vm1, vm3;
	v19 =	vsel vm3, v18, v17  }
0x8c: {  	v17 =	vnsel vm1, $0xFF800000, v17;
	vm2 =	vgt.f32 v16, v19  }
0x8d: {  	v17 =	vsel vm3, v17, v18  }
0x8e: {  	v18 =	vsel vm1, $0x1, v1;
	vm1 =	vmneg vm2;
	vm2 =	vgt.f32 v16, v17  }
0x8f: {  	v20 =	vsel vm0, $0x1, v1;
	v21 =	vsel vm1, v19, v16;
	vm0 =	vmand vm1, vm2;
	v14 =	vld.idx.msk [tilespmem:v14+s2+$0x0], $0xffff  }
0x90: {  	v16 =	vsel vm0, v16, v17;
	v17 =	vsel vm0, $0x2, v18;
	vm0 =	vgt.f32 v15, v21  }
0x91: {  	v16 =	vsel vm1, v16, v19;
	v17 =	vsel vm1, v17, v20  }
0x92: {  	vm0 =	vmneg vm0;
	vm2 =	vgt.f32 v15, v16;
	v13 =	vld.idx.msk [tilespmem:v13+s2+$0x0], $0xffff  }
0x93: {  	v18 =	vnsel vm1, $0x2, v20;
	vm1 =	vmand vm0, vm2  }
0x94: {  	v16 =	vsel vm1, v15, v16;
	v17 =	vsel vm1, $0x3, v17;
	v15 =	vsel vm0, v21, v15  }
0x95: {  	v16 =	vsel vm0, v16, v21;
	v17 =	vsel vm0, v17, v18;
	vm1 =	vgt.f32 v14, v15  }
0x96: {  	vm1 =	vmneg vm1;
	vm2 =	vgt.f32 v14, v16;
	v12 =	vld.idx.msk [tilespmem:v12+s2+$0x0], $0xffff  }
0x97: {  	v18 =	vnsel vm0, $0x3, v18;
	vm0 =	vmand vm1, vm2;
	v19 =	vsel vm1, v15, v14  }
0x98: {  	v14 =	vsel vm0, v14, v16;
	v16 =	vsel vm0, $0x4, v17;
	vm0 =	vgt.f32 v13, v19  }
0x99: {  	v14 =	vsel vm1, v14, v15;
	v15 =	vsel vm1, v16, v18;
	v10 =	vld.idx.msk [tilespmem:v10+s2+$0x0], $0xffff  }
0x9a: {  	vm0 =	vmneg vm0;
	vm2 =	vgt.f32 v13, v14  }
0x9b: {  	v16 =	vnsel vm1, $0x4, v18;
	v17 =	vsel vm0, v19, v13;
	vm1 =	vmand vm0, vm2  }
0x9c: {  	v13 =	vsel vm1, v13, v14;
	v14 =	vsel vm1, $0x5, v15;
	vm1 =	vgt.f32 v12, v17  }
0x9d: {  	v13 =	vsel vm0, v13, v19;
	v14 =	vsel vm0, v14, v16;
	vm1 =	vmneg vm1  }
0x9e: {  	v15 =	vnsel vm0, $0x5, v16;
	vm0 =	vgt.f32 v12, v13;
	v16 =	vsel vm1, v17, v12  }
0x9f: {  	v18 =	vnsel vm1, $0x6, v15;
	vm0 =	vmand vm1, vm0;
	vm2 =	vgt.f32 v10, v16;
	v7 =	vld.idx.msk [tilespmem:v7+s2+$0x0], $0xffff  }
0xa0: {  	v12 =	vsel vm0, v12, v13;
	v13 =	vsel vm0, $0x6, v14  }
0xa1: {  	v12 =	vsel vm1, v12, v17;
	v13 =	vsel vm1, v13, v15  }
0xa2: {  	vm0 =	vmneg vm2;
	vm1 =	vgt.f32 v10, v12;
	v4 =	vld.idx.msk [tilespmem:v4+s2+$0x0], $0xffff  }
0xa3: {  	v14 =	vnsel vm0, $0x7, v18;
	vm1 =	vmand vm0, vm1  }
0xa4: {  	v12 =	vsel vm1, v10, v12;
	v13 =	vsel vm1, $0x7, v13;
	v10 =	vsel vm0, v16, v10  }
0xa5: {  	v12 =	vsel vm0, v12, v16;
	v13 =	vsel vm0, v13, v18;
	vm0 =	vgt.f32 v7, v10  }
0xa6: {  	vm0 =	vmneg vm0;
	vm1 =	vgt.f32 v7, v12;
	v11 =	vld.idx.msk [tilespmem:v11+s2+$0x0], $0xffff  }
0xa7: {  	vm1 =	vmand vm0, vm1;
	v15 =	vsel vm0, v10, v7;
	v16 =	vnsel vm0, $0x8, v14  }
0xa8: {  	v7 =	vsel vm1, v7, v12;
	v12 =	vsel vm1, $0x8, v13;
	vm1 =	vgt.f32 v4, v15  }
0xa9: {  	v7 =	vsel vm0, v7, v10;
	v10 =	vsel vm0, v12, v14  }
0xaa: {  	vm0 =	vmneg vm1;
	vm1 =	vgt.f32 v4, v7;
	v9 =	vld.idx.msk [tilespmem:v9+s2+$0x0], $0xffff  }
0xab: {  	v12 =	vsel vm0, v15, v4;
	vm1 =	vmand vm0, vm1  }
0xac: {  	v4 =	vsel vm1, v4, v7;
	v7 =	vsel vm1, $0x9, v10;
	vm1 =	vgt.f32 v11, v12  }
0xad: {  	v4 =	vsel vm0, v4, v15;
	v7 =	vsel vm0, v7, v16  }
0xae: {  	vm1 =	vmneg vm1;
	vm2 =	vgt.f32 v11, v4  }
0xaf: {  	v10 =	vsel vm1, v12, v11;
	vm2 =	vmand vm1, vm2;
	v8 =	vld.idx.msk [tilespmem:v8+s2+$0x0], $0xffff  }
0xb0: {  	v4 =	vsel vm2, v11, v4;
	v7 =	vsel vm2, $0xA, v7;
	vm2 =	vgt.f32 v9, v10  }
0xb1: {  	v11 =	vnsel vm0, $0x9, v16;
	v4 =	vsel vm1, v4, v12  }
0xb2: {  	v12 =	vnsel vm1, $0xA, v11;
	vm0 =	vmneg vm2;
	vm2 =	vgt.f32 v9, v4  }
0xb3: {  	v7 =	vsel vm1, v7, v11;
	v11 =	vnsel vm0, $0xB, v12;
	vm1 =	vmand vm0, vm2;
	v6 =	vld.idx.msk [tilespmem:v6+s2+$0x0], $0xffff  }
0xb4: {  	v4 =	vsel vm1, v9, v4;
	v7 =	vsel vm1, $0xB, v7;
	v9 =	vsel vm0, v10, v9  }
0xb5: {  	v4 =	vsel vm0, v4, v10;
	v7 =	vsel vm0, v7, v12;
	vm0 =	vgt.f32 v8, v9  }
0xb6: {  	vm0 =	vmneg vm0;
	vm1 =	vgt.f32 v8, v4;
	v5 =	vld.idx.msk [tilespmem:v5+s2+$0x0], $0xffff  }
0xb7: {  	vm1 =	vmand vm0, vm1;
	v10 =	vnsel vm0, $0xC, v11  }
0xb8: {  	v4 =	vsel vm1, v8, v4;
	v7 =	vsel vm1, $0xC, v7;
	v8 =	vsel vm0, v9, v8  }
0xb9: {  	v4 =	vsel vm0, v4, v9;
	v7 =	vsel vm0, v7, v11;
	vm0 =	vgt.f32 v6, v8  }
0xba: {  	vm0 =	vmneg vm0;
	vm1 =	vgt.f32 v6, v4;
	v3 =	vld.idx.msk [tilespmem:v3+s2+$0x0], $0xffff  }
0xbb: {  	vm1 =	vmand vm0, vm1;
	v9 =	vsel vm0, v8, v6  }
0xbc: {  	v4 =	vsel vm1, v6, v4;
	v6 =	vsel vm1, $0xD, v7;
	vm1 =	vgt.f32 v5, v9  }
0xbd: {  	v4 =	vsel vm0, v4, v8;
	v6 =	vsel vm0, v6, v10  }
0xbe: {  	vm1 =	vmneg vm1;
	vm2 =	vgt.f32 v5, v4  }
0xbf: {  	v7 =	vnsel vm0, $0xD, v10;
	v8 =	vsel vm1, v9, v5;
	vm0 =	vmand vm1, vm2  }
0xc0: {  	v4 =	vsel vm0, v5, v4;
	v5 =	vsel vm0, $0xE, v6;
	vm0 =	vgt.f32 v3, v8  }
0xc1: {  	v4 =	vsel vm1, v4, v9;
	v5 =	vsel vm1, v5, v7  }
0xc2: {  	vm0 =	vmneg vm0;
	vm2 =	vgt.f32 v3, v4  }
0xc3: {  	vm2 =	vmand vm0, vm2  }
0xc4: {  	v7 =	vnsel vm1, $0xE, v7;
	v4 =	vsel vm2, v3, v4;
	v5 =	vsel vm2, $0xF, v5  }
0xc5: {  	v3 =	vsel vm0, v8, v3;
	v4 =	vsel vm0, v4, v8;
	v5 =	vsel vm0, v5, v7  }
0xc6: {  	v3 =	vsub.f32 v4, v3;
	_ =	sdelay $0x1  }
0xc7: {  	v3 =	vmul.f32 $1.442695020e+00, v3;
	_ =	sdelay $0x1  }
0xc8: {  	(erf) = vpow2.f32 v3;
	_ =	sdelay $0x8  }
0xc9: {  	v4 =	vpop (erf)  }
0xca: {  	v3 =	vadd.f32 $1.000000000e+00, v4;
	_ =	sdelay $0x1  }
0xcb: {  	(erf) = vrcp.f32 v3;
	_ =	sdelay $0x5  }
0xcc: {  	v8 =	vshll.u32 v2, $0x1  }
0xcd: {  	v6 =	vor.u32 $0x1, v8;
	_ =	sdelay $0x1  }
.Ltmp0:
0xce: {  	v2 =	vor.u32 s12, v0;
	v9 =	vpop (erf);
	(pc) =	sbr.rel @p0 .LBB2_2-.Ltmp0, $4  }
0xcf: {  	v11 =	vnsel vm0, $0xF, v7;
	v3 =	vshll.u32 v2, $0x4;
	v4 =	vmul.f32 v9, v4  }
0xd0: {  	v17 =	vor.u32 $0x1, v3;
	v16 =	vor.u32 $0x2, v3;
	v15 =	vor.u32 $0x3, v3;
	[tilespmem:v8+s8+$0x0] =	vst.idx.msk $0xffff, v9  }
0xd1: {  	v14 =	vor.u32 $0x4, v3;
	v13 =	vor.u32 $0x5, v3;
	v12 =	vor.u32 $0x6, v3;
	[tilespmem:v6+s8+$0x0] =	vst.idx.msk $0xffff, v4  }
0xd2: {  	v10 =	vor.u32 $0x7, v3;
	v7 =	vor.u32 $0x8, v3;
	v4 =	vor.u32 $0x9, v3;
	[tilespmem:v8+s9+$0x0] =	vst.idx.msk $0xffff, v11  }
0xd3: {  	_ =	sdelay $0x3  }
0xd4: {  	[tilespmem:v6+s9+$0x0] =	vst.idx.msk $0xffff, v5  }
0xd5: {  	v5 =	vld.idx.msk [tilespmem:v3+s2+$0x0], $0xffff;
	_ =	sdelay $0x1  }
0xd6: {  	v6 =	vld.idx.msk [tilespmem:v17+s2+$0x0], $0xffff;
	_ =	sdelay $0x2  }
0xd7: {  	vm0 =	vgt.f32 v5, $-Inf  }
0xd8: {  	v9 =	vimm.s32 $0x0;
	v8 =	vld.idx.msk [tilespmem:v16+s2+$0x0], $0xffff;
	v5 =	vnsel vm0, $0xFF800000, v5  }
0xd9: {  	vm12 =	vlt.f32 v6, $-Inf;
	vm1 =	vgt.f32 v6, $-Inf;
	vm2 =	vgt.f32 v6, v5  }
0xda: {  	vm0 =	vmor vm1, vm12;
	v9 =	vsel vm2, $0xFFFFFFFF, v9;
	vm2 =	vmneg vm2  }
0xdb: {  	vm14 =	vmand vm0, vm2  }
0xdc: {  	v61 =	vld.idx.msk [tilespmem:v15+s2+$0x0], $0xffff;
	v11 =	vsel vm2, v5, v6;
	v6 =	vnsel vm14, $0xFF800000, v6  }
0xdd: {  	vm13 =	vgt.f32 v8, v11;
	v5 =	vsel vm2, v6, v5  }
0xde: {  	vm9 =	vmneg vm13;
	vm15 =	vgt.f32 v8, v5  }
0xdf: {  	vm0 =	vmand vm9, vm15  }
0xe0: {  	v14 =	vld.idx.msk [tilespmem:v14+s2+$0x0], $0xffff;
	v63 =	vsel vm9, v11, v8;
	v5 =	vsel vm0, v8, v5  }
0xe1: {  	vm4 =	vgt.f32 v61, v63;
	v5 =	vsel vm9, v5, v11  }
0xe2: {  	v62 =	vimm.s32 $0x0;
	vm7 =	vmneg vm4;
	vm5 =	vgt.f32 v61, v5  }
0xe3: {  	v6 =	vsel vm0, $0xFFFFFFFF, v62;
	vm0 =	vmand vm7, vm5  }
0xe4: {  	v16 =	vld.idx.msk [tilespmem:v13+s2+$0x0], $0xffff;
	[tilespmem:$0x1FE40] =	vst v9;
	v9 =	vsel vm7, v63, v61;
	v5 =	vsel vm0, v61, v5  }
0xe5: {  	vm6 =	vgt.f32 v14, v9;
	v5 =	vsel vm7, v5, v63  }
0xe6: {  	v15 =	vimm.s32 $0x0;
	vm6 =	vmneg vm6;
	vm8 =	vgt.f32 v14, v5  }
0xe7: {  	v8 =	vsel vm0, $0xFFFFFFFF, v15;
	vm0 =	vmand vm6, vm8  }
0xe8: {  	v18 =	vld.idx.msk [tilespmem:v12+s2+$0x0], $0xffff;
	v19 =	vsel vm6, v9, v14;
	v5 =	vsel vm0, v14, v5  }
0xe9: {  	vm10 =	vgt.f32 v16, v19;
	v5 =	vsel vm6, v5, v9  }
0xea: {  	v17 =	vimm.s32 $0x0;
	vm8 =	vmneg vm10;
	vm11 =	vgt.f32 v16, v5  }
0xeb: {  	[tilespmem:$0x1FE50] =	vst v6;
	v6 =	vsel vm0, $0xFFFFFFFF, v17;
	vm0 =	vmand vm8, vm11  }
0xec: {  	v21 =	vld.idx.msk [tilespmem:v10+s2+$0x0], $0xffff;
	v22 =	vsel vm8, v19, v16;
	v5 =	vsel vm0, v16, v5  }
0xed: {  	vm12 =	vgt.f32 v18, v22;
	v5 =	vsel vm8, v5, v19  }
0xee: {  	v20 =	vimm.s32 $0x0;
	vm10 =	vmneg vm12;
	vm13 =	vgt.f32 v18, v5  }
0xef: {  	v9 =	vsel vm0, $0xFFFFFFFF, v20;
	vm0 =	vmand vm10, vm13  }
0xf0: {  	v7 =	vld.idx.msk [tilespmem:v7+s2+$0x0], $0xffff;
	v24 =	vsel vm10, v22, v18;
	v5 =	vsel vm0, v18, v5  }
0xf1: {  	vm15 =	vgt.f32 v21, v24;
	v5 =	vsel vm10, v5, v22  }
0xf2: {  	v23 =	vimm.s32 $0x0;
	vm12 =	vmneg vm15;
	vm4 =	vgt.f32 v21, v5  }
0xf3: {  	v25 =	vor.u32 $0xA, v3;
	[tilespmem:$0x1FE60] =	vst v8;
	v8 =	vsel vm0, $0xFFFFFFFF, v23;
	vm0 =	vmand vm12, vm4  }
0xf4: {  	v4 =	vld.idx.msk [tilespmem:v4+s2+$0x0], $0xffff;
	[tilespmem:$0x1FE80] =	vst v9;
	v9 =	vsel vm12, v24, v21;
	v5 =	vsel vm0, v21, v5  }
0xf5: {  	vm5 =	vgt.f32 v7, v9;
	v5 =	vsel vm12, v5, v24  }
0xf6: {  	v26 =	vimm.s32 $0x0;
	vm13 =	vmneg vm5;
	vm11 =	vgt.f32 v7, v5  }
0xf7: {  	v27 =	vor.u32 $0xB, v3;
	v10 =	vsel vm0, $0xFFFFFFFF, v26;
	vm0 =	vmand vm13, vm11  }
0xf8: {  	[tilespmem:$0x1FE70] =	vst v6;
	v6 =	vld.idx.msk [tilespmem:v25+s2+$0x0], $0xffff;
	v29 =	vsel vm13, v9, v7;
	v5 =	vsel vm0, v7, v5  }
0xf9: {  	vm15 =	vgt.f32 v4, v29;
	v5 =	vsel vm13, v5, v9  }
0xfa: {  	v28 =	vimm.s32 $0x0;
	vm15 =	vmneg vm15;
	vm4 =	vgt.f32 v4, v5  }
0xfb: {  	v30 =	vor.u32 $0xC, v3;
	[tilespmem:$0x1FEA0] =	vst v10;
	v10 =	vsel vm0, $0xFFFFFFFF, v28;
	vm0 =	vmand vm15, vm4  }
0xfc: {  	[tilespmem:$0x1FE90] =	vst v8;
	v8 =	vld.idx.msk [tilespmem:v27+s2+$0x0], $0xffff;
	v32 =	vsel vm15, v29, v4;
	v4 =	vsel vm0, v4, v5  }
0xfd: {  	vm5 =	vgt.f32 v6, v32;
	v4 =	vsel vm15, v4, v29  }
0xfe: {  	v31 =	vimm.s32 $0x0;
	vm5 =	vmneg vm5;
	vm11 =	vgt.f32 v6, v4  }
0xff: {  	v33 =	vor.u32 $0xD, v3;
	v9 =	vsel vm0, $0xFFFFFFFF, v31;
	vm0 =	vmand vm5, vm11  }
0x100: {  	v35 =	vsel vm5, v32, v6;
	v7 =	vld.idx.msk [tilespmem:v30+s2+$0x0], $0xffff;
	v4 =	vsel vm0, v6, v4  }
0x101: {  	vm4 =	vgt.f32 v8, v35;
	v4 =	vsel vm5, v4, v32  }
0x102: {  	v34 =	vimm.s32 $0x0;
	vm4 =	vmneg vm4;
	vm11 =	vgt.f32 v8, v4  }
0x103: {  	v36 =	vor.u32 $0xE, v3;
	[tilespmem:$0x1FEB0] =	vst v10;
	v10 =	vsel vm0, $0xFFFFFFFF, v34;
	vm0 =	vmand vm4, vm11  }
0x104: {  	v5 =	vld.idx.msk [tilespmem:v33+s2+$0x0], $0xffff;
	v4 =	vsel vm0, v8, v4;
	v8 =	vsel vm4, v35, v8  }
0x105: {  	v4 =	vsel vm4, v4, v35;
	vm11 =	vgt.f32 v7, v8  }
0x106: {  	v37 =	vimm.s32 $0x0;
	vm3 =	vmneg vm11;
	vm11 =	vgt.f32 v7, v4  }
0x107: {  	v3 =	vor.u32 $0xF, v3;
	[tilespmem:$0x1FEC0] =	vst v9;
	v9 =	vsel vm0, $0xFFFFFFFF, v37;
	vm0 =	vmand vm3, vm11  }
0x108: {  	v6 =	vld.idx.msk [tilespmem:v36+s2+$0x0], $0xffff;
	v4 =	vsel vm0, v7, v4;
	v7 =	vsel vm3, v8, v7  }
0x109: {  	v4 =	vsel vm3, v4, v8;
	vm11 =	vgt.f32 v5, v7  }
0x10a: {  	v38 =	vimm.s32 $0x0;
	vm2 =	vmneg vm11;
	vm11 =	vgt.f32 v5, v4  }
0x10b: {  	[tilespmem:$0x1FEE0] =	vst v9;
	v9 =	vsel vm0, $0xFFFFFFFF, v38;
	vm0 =	vmand vm2, vm11  }
0x10c: {  	v3 =	vld.idx.msk [tilespmem:v3+s2+$0x0], $0xffff;
	v40 =	vsel vm2, v7, v5;
	v4 =	vsel vm0, v5, v4  }
0x10d: {  	vm11 =	vgt.f32 v6, v40;
	v4 =	vsel vm2, v4, v7  }
0x10e: {  	v39 =	vimm.s32 $0x0;
	vm1 =	vmneg vm11;
	vm11 =	vgt.f32 v6, v4  }
0x10f: {  	v8 =	vsel vm0, $0xFFFFFFFF, v39;
	vm0 =	vmand vm1, vm11  }
0x110: {  	v42 =	vsel vm1, v40, v6;
	v4 =	vsel vm0, v6, v4  }
0x111: {  	v41 =	vimm.s32 $0x0;
	v44 =	vld [tilespmem:$0x1FE40];
	vm11 =	vgt.f32 v3, v42;
	v4 =	vsel vm1, v4, v40  }
0x112: {  	v45 =	vld [tilespmem:$0x1FE50];
	v5 =	vsel vm0, $0xFFFFFFFF, v41;
	vm0 =	vmneg vm11;
	vm11 =	vgt.f32 v3, v4  }
0x113: {  	vm11 =	vmand vm0, vm11  }
0x114: {  	v46 =	vld [tilespmem:$0x1FE60];
	v4 =	vsel vm11, v3, v4  }
0x115: {  	v3 =	vsel vm0, v42, v3;
	v4 =	vsel vm0, v4, v42  }
0x116: {  	v43 =	vsel vm14, $0x1, v1;
	vm14 =	vnez.u8 v44;
	v48 =	vld [tilespmem:$0x1FE70];
	v3 =	vsub.f32 v4, v3  }
0x117: {  	[tilespmem:$0x1FF10] =	vst v5;
	v5 =	vsel vm14, $0x1, v1;
	vm14 =	vnez.u8 v45  }
0x118: {  	v49 =	vld [tilespmem:$0x1FE80];
	v4 =	vsel vm14, $0x2, v43;
	v3 =	vmul.f32 $1.442695020e+00, v3  }
0x119: {  	vm14 =	vnez.u8 v46;
	v4 =	vsel vm9, v4, v5  }
0x11a: {  	v50 =	vld [tilespmem:$0x1FE90];
	v5 =	vnsel vm9, $0x2, v5;
	v4 =	vsel vm14, $0x3, v4;
	(erf) = vpow2.f32 v3  }
0x11b: {  	vm9 =	vnez.u8 v48;
	v3 =	vsel vm7, v4, v5  }
0x11c: {  	v51 =	vld [tilespmem:$0x1FEA0];
	v47 =	vnsel vm7, $0x3, v5;
	v3 =	vsel vm9, $0x4, v3  }
0x11d: {  	vm14 =	vnez.u8 v49;
	v3 =	vsel vm6, v3, v47  }
0x11e: {  	v53 =	vld [tilespmem:$0x1FEB0];
	v4 =	vnsel vm6, $0x4, v47;
	v3 =	vsel vm14, $0x5, v3  }
0x11f: {  	vm9 =	vnez.u8 v50;
	v3 =	vsel vm8, v3, v4  }
0x120: {  	v55 =	vld [tilespmem:$0x1FEC0];
	v4 =	vnsel vm8, $0x5, v4;
	v3 =	vsel vm9, $0x6, v3  }
0x121: {  	[tilespmem:$0x1FED0] =	vst v10;
	v3 =	vsel vm10, v3, v4;
	v4 =	vnsel vm10, $0x6, v4;
	vm10 =	vnez.u8 v51  }
0x122: {  	v56 =	vld [tilespmem:$0x1FED0];
	v3 =	vsel vm10, $0x7, v3  }
0x123: {  	vm14 =	vnez.u8 v53;
	v3 =	vsel vm12, v3, v4;
	v52 =	vpop (erf)  }
0x124: {  	v57 =	vld [tilespmem:$0x1FEE0];
	v4 =	vnsel vm12, $0x7, v4;
	v3 =	vsel vm14, $0x8, v3;
	v54 =	vadd.f32 $1.000000000e+00, v52  }
0x125: {  	[tilespmem:$0x1FEF0] =	vst v9;
	vm9 =	vnez.u8 v55;
	v3 =	vsel vm13, v3, v4  }
0x126: {  	v58 =	vld [tilespmem:$0x1FEF0];
	v4 =	vnsel vm13, $0x8, v4;
	v3 =	vsel vm9, $0x9, v3;
	(erf) = vrcp.f32 v54  }
0x127: {  	[tilespmem:$0x1FF00] =	vst v8;
	vm10 =	vnez.u8 v56;
	v3 =	vsel vm15, v3, v4  }
0x128: {  	v60 =	vld [tilespmem:$0x1FF00];
	v4 =	vnsel vm15, $0x9, v4;
	v3 =	vsel vm10, $0xA, v3  }
0x129: {  	vm12 =	vnez.u8 v57;
	v3 =	vsel vm5, v3, v4  }
0x12a: {  	v62 =	vld [tilespmem:$0x1FF10];
	v4 =	vnsel vm5, $0xA, v4;
	v3 =	vsel vm12, $0xB, v3  }
0x12b: {  	vm13 =	vnez.u8 v58;
	v3 =	vsel vm4, v3, v4  }
0x12c: {  	v2 =	vshll.u32 v2, $0x1;
	v4 =	vnsel vm4, $0xB, v4;
	v3 =	vsel vm13, $0xC, v3  }
0x12d: {  	v59 =	vor.u32 $0x1, v2;
	vm14 =	vnez.u8 v60;
	v3 =	vsel vm3, v3, v4  }
0x12e: {  	v4 =	vnsel vm3, $0xC, v4;
	v3 =	vsel vm14, $0xD, v3  }
0x12f: {  	vm15 =	vnez.u8 v62;
	v3 =	vsel vm2, v3, v4;
	v61 =	vpop (erf)  }
0x130: {  	v4 =	vnsel vm2, $0xD, v4;
	v3 =	vsel vm15, $0xE, v3;
	v5 =	vmul.f32 v61, v52  }
0x131: {  	v3 =	vsel vm1, v3, v4;
	v4 =	vnsel vm1, $0xE, v4;
	[tilespmem:v2+s8+$0x0] =	vst.idx.msk $0xffff, v61  }
0x132: {  	v3 =	vsel vm11, $0xF, v3;
	v63 =	vnsel vm0, $0xF, v4;
	[tilespmem:v59+s8+$0x0] =	vst.idx.msk $0xffff, v5  }
0x133: {  	v3 =	vsel vm0, v3, v4;
	[tilespmem:v2+s9+$0x0] =	vst.idx.msk $0xffff, v63  }
0x134: {  	[tilespmem:v59+s9+$0x0] =	vst.idx.msk $0xffff, v3  }
0x135: {  	[hbm4b:s4+s2] =	stream.linear.scatter [tilespmem:s8], [sflag:$0x1], $0x400, $0x38;
	[tilespmem:$0x2800] =	vst v63  }
0x136: {  	s10 =	sadd.s32 $0x1, s10;
	_ =	swait.ge [sflag:s7], $0x400  }
0x137: {  	p0 =	sne.s32 s10, s6;
	[sflag:s7] =	ssyncset.done $0x0  }
.Ltmp1:
0x138: {  	[sflag:s7] =	ssyncadd.s32 $0xFFFFFC00;
	(pc) =	sbr.rel @p0 .LBB2_1-.Ltmp1, $4  }
0x139: {  	[hbm4b:s5+s2] =	stream.linear.scatter [tilespmem:s9], [sflag:$0x1], $0x400, $0x38;
	[tilespmem:$0x2800] =	vst v63  }
0x13a: {  	_ =	swait.ge [sflag:s7], $0x400  }
0x13b: {  	[sflag:s7] =	ssyncset.done $0x0  }
0x13c: {  	[sflag:s7] =	ssyncadd.s32 $0xFFFFFC00  }
0x13d: {  	_ =	sfence.sel $0x180000  }
0x13e: {  	[bflag:$0x0] =	sbarrier.arrive $0xFFFF  }
0x13f: {  	p0 =	sne.s32 s1, $0x0;
	_ =	strace $0x90000047  }
0x140: {  	s0 =	sadd.s32 @!p0 $0x100000, s0;
	[bflag:$0x2] =	sbarrier.arrive $0xFFFF  }
0x141: {  	[sflag:s0] =	ssyncadd.tile.s32 @!p0 $0x1;
	_ =	shalt  }
.Lfunc_end2:
_tile_overlayer_lowered:
.L_overlay_start_2:
0x142: {  	(tag) =	ssettag $0x2  }
0x143: {  	s0 =	rddreg [dreg:$0x0];
	s2 =	stileid.u32  }
0x144: {  	s1 =	rddreg [dreg:$0x1];
	p0 =	sne.s32 s2, $0x0  }
0x145: {  	s3 =	rddreg [dreg:$0x2];
	[bflag:$0x3] =	sbarrier.arrive $0xFFFF;
	s2 =	simm.s32 @!p0 $0x1C01  }
0x146: {  	[timem:s3], [sflag:s2] =	dma.local @!p0 [hbm:s0], s1  }
0x147: {  	s0 =	simm.s32 @!p0 $0x1  }
0x148: {  	_ =	swait.ge @!p0 [sflag:s0], s1  }
0x149: {  	s1 =	ssub.s32 @!p0 $0x0, s1;
	[sflag:s0] =	ssyncset.done @!p0 $0x0  }
0x14a: {  	[sflag:s0] =	ssyncadd.s32 @!p0 s1  }
0x14b: {  	[bflag:$0x3] =	sbarrier.arrive $0xFFFF  }
0x14c: {  	_ =	shalt  }

</sc_bundles>
